<compile_context>
chip_gen: v7x
topology: tpu7x:2x2x1
jax: 0.10.2.dev20260603
libtpu: 0.0.44.dev20260713+nightly
codegen_flags: <defaults>
</compile_context>

<pallas_src>
import jax
import jax.numpy as jnp
from jax import lax
from jax.experimental import pallas as pl
from jax.experimental.pallas import tpu as pltpu
from jax.experimental.pallas import tpu_sc as plsc

NC = 2
NS = 16
NW = NC * NS
L = 16

N = 100000
E = 6400000
EPW = E // NW
C = 4000
NCH = EPW // C

_MAGIC = 0x5F3759DF
_HI16 = -65536
_A = 1.00094
_C1 = 1.5 * _A
_CH = 0.5 * _A


def _sc_body(tab_hbm, eflat_hbm, invd_hbm, out_hbm,
             tab_v, i0a_v, i1a_v, da_v, i0b_v, i1b_v, db_v,
             acc_v, tsem, sem_a, sem_b):
    cid = lax.axis_index("c")
    sid = lax.axis_index("s")
    wid = sid * NC + cid
    base0 = wid * EPW

    tab_cp = pltpu.make_async_copy(tab_hbm, tab_v, tsem)
    tab_cp.start()

    sems = (sem_a, sem_b)
    bufs = ((i0a_v, i1a_v, da_v), (i0b_v, i1b_v, db_v))

    def start(ci, slot):
        base = pl.multiple_of(base0 + ci * C, 16)
        b0, b1, bd = bufs[slot]
        sem = sems[slot]
        pltpu.async_copy(eflat_hbm.at[pl.ds(base, C)], b0, sem)
        pltpu.async_copy(eflat_hbm.at[pl.ds(E + base, C)], b1, sem)
        pltpu.async_copy(invd_hbm.at[pl.ds(base, C)], bd, sem)

    def wait(slot):
        b0, b1, bd = bufs[slot]
        sem = sems[slot]
        pltpu.make_async_copy(eflat_hbm.at[pl.ds(0, C)], b0, sem).wait()
        pltpu.make_async_copy(eflat_hbm.at[pl.ds(0, C)], b1, sem).wait()
        pltpu.make_async_copy(invd_hbm.at[pl.ds(0, C)], bd, sem).wait()

    def compute(slot, acc):
        b0, b1, bd = bufs[slot]

        @plsc.parallel_loop(0, C, step=L, unroll=4, carry=acc)
        def vec_body(o, acc):
            o = pl.multiple_of(o, L)
            idx0 = b0[pl.ds(o, L)]
            idx1 = b1[pl.ds(o, L)]
            p0 = plsc.load_gather(tab_v, [idx0])
            p1 = plsc.load_gather(tab_v, [idx1])
            w = bd[pl.ds(o, L)]
            x0 = plsc.bitcast(p0 << 16, jnp.float32)
            y0 = plsc.bitcast(p0 & _HI16, jnp.float32)
            x1 = plsc.bitcast(p1 << 16, jnp.float32)
            y1 = plsc.bitcast(p1 & _HI16, jnp.float32)
            dx = x0 - x1
            dy = y0 - y1
            s = dx * dx + dy * dy
            r = plsc.bitcast(_MAGIC - (plsc.bitcast(s, jnp.int32) >> 1),
                             jnp.float32)
            h = _CH * s
            r = r * (_C1 - h * r * r)
            eu = s * r
            q = eu * w - 1.0
            return acc + q * q

        return vec_body

    start(0, 0)
    tab_cp.wait()

    def outer(cc, acc):
        ci0 = cc * 2

        start(ci0 + 1, 1)
        wait(0)
        acc = compute(0, acc)

        @pl.when(cc + 1 < NCH // 2)
        def _():
            start(ci0 + 2, 0)

        wait(1)
        acc = compute(1, acc)
        return acc

    acc = lax.fori_loop(0, NCH // 2, outer, jnp.zeros((L,), jnp.float32))
    acc_v[...] = acc
    pltpu.sync_copy(acc_v, out_hbm.at[wid])


_sc_stress = pl.kernel(
    _sc_body,
    out_type=jax.ShapeDtypeStruct((NW, L), jnp.float32),
    mesh=plsc.VectorSubcoreMesh(
        core_axis_name="c", subcore_axis_name="s",
        num_cores=NC, num_subcores=NS),
    compiler_params=pltpu.CompilerParams(needs_layout_passes=False),
    scratch_types=[
        pltpu.VMEM((N,), jnp.int32),
        pltpu.VMEM((C,), jnp.int32),
        pltpu.VMEM((C,), jnp.int32),
        pltpu.VMEM((C,), jnp.float32),
        pltpu.VMEM((C,), jnp.int32),
        pltpu.VMEM((C,), jnp.int32),
        pltpu.VMEM((C,), jnp.float32),
        pltpu.VMEM((L,), jnp.float32),
        pltpu.SemaphoreType.DMA,
        pltpu.SemaphoreType.DMA,
        pltpu.SemaphoreType.DMA,
    ],
)


def kernel(node_pos, edge_index, edge_attr):
    nb = node_pos.astype(jnp.bfloat16)
    bits = lax.bitcast_convert_type(nb, jnp.uint16).astype(jnp.uint32)
    packed = lax.bitcast_convert_type(bits[:, 0] | (bits[:, 1] << 16),
                                      jnp.int32)
    eflat = edge_index.reshape(-1)
    inv_d = 1.0 / edge_attr[:, 0]
    partials = _sc_stress(packed, eflat, inv_d)
    return jnp.sum(partials)

# --- scband reference (transcript-rebuilt; emitter-appended) ---
"""Pipeline reference for scband-stress-13460427506249 (READ-ONLY COPY).

The authoritative reference and input builder live on the scoring server;
editing this copy changes nothing except your own understanding.
"""

import jax, jax.numpy as jnp
import numpy as np

N = 100000
E = 6400000
DIM = 2
DE = 4

def setup_inputs(seed: int = 0) -> dict:
    key = jax.random.key(seed)
    k1, k2, k3 = jax.random.split(key, 3)
    node_pos = jax.random.normal(k1, (N, DIM), dtype=jnp.float32)
    edge_index = jax.random.randint(k2, (2, E), 0, N, dtype=jnp.int32)
    # edge_attr[:, 0] is a target distance d used as divisor; keep it bounded away from 0
    edge_attr = jax.random.uniform(k3, (E, DE), dtype=jnp.float32, minval=0.1, maxval=1.0)
    return {"node_pos": node_pos, "edge_index": edge_index, "edge_attr": edge_attr}

def reference(node_pos, edge_index, edge_attr):
    start = jnp.take(node_pos, edge_index[0], axis=0)
    end = jnp.take(node_pos, edge_index[1], axis=0)
    eu = jnp.linalg.norm(start - end, axis=1)
    d = edge_attr[:, 0]
    edge_stress = jnp.sum(jnp.square(jnp.abs(eu - d) / d))
    return edge_stress

if __name__ == "__main__":
    import jax
    _d = setup_inputs()
    print(jax.jit(kernel)(*tuple(_d.values())))

</pallas_src>

<mosaic_0001>
#map = affine_map<(d0, d1) -> (0)>
#map1 = affine_map<(d0, d1) -> (0, 0)>
module attributes {stable_mosaic.version = 14 : i64} {
  func.func @_sc_body(%arg0: i32, %arg1: i32, %arg2: memref<100000xi32, #tpu.memory_space<hbm>>, %arg3: memref<12800000xi32, #tpu.memory_space<hbm>>, %arg4: memref<6400000xf32, #tpu.memory_space<hbm>>, %arg5: memref<32x16xf32, #tpu.memory_space<hbm>>, %arg6: memref<100000xi32, #tpu.memory_space<vmem>>, %arg7: memref<4000xi32, #tpu.memory_space<vmem>>, %arg8: memref<4000xi32, #tpu.memory_space<vmem>>, %arg9: memref<4000xf32, #tpu.memory_space<vmem>>, %arg10: memref<4000xi32, #tpu.memory_space<vmem>>, %arg11: memref<4000xi32, #tpu.memory_space<vmem>>, %arg12: memref<4000xf32, #tpu.memory_space<vmem>>, %arg13: memref<16xf32, #tpu.memory_space<vmem>>, %arg14: memref<!tpu.dma_semaphore, #tpu.memory_space<semaphore_mem>>, %arg15: memref<!tpu.dma_semaphore, #tpu.memory_space<semaphore_mem>>, %arg16: memref<!tpu.dma_semaphore, #tpu.memory_space<semaphore_mem>>) attributes {dimension_semantics = [#tpu.dimension_semantics<core_parallel>, #tpu.dimension_semantics<subcore_parallel>], iteration_bounds = array<i64: 2, 16>, scalar_prefetch = 0 : i64, scratch_operands = 11 : i64, tpu.core_type = #tpu.core_type<sc_vector_subcore>, window_params = [{transform_indices = #map}, {transform_indices = #map}, {transform_indices = #map}, {transform_indices = #map1}]} {
    %mul3A = arith.constant 2 : i32
    %mul3A_0 = arith.muli %arg1, %mul3A : i32
    %add3A = arith.addi %mul3A_0, %arg0 : i32
    %mul3A_1 = arith.constant 200000 : i32
    %mul3A_2 = arith.muli %add3A, %mul3A_1 : i32
    tpu.enqueue_dma source(%arg2 : memref<100000xi32, #tpu.memory_space<hbm>>) target(%arg6 : memref<100000xi32, #tpu.memory_space<vmem>>) target_semaphore(%arg14 : memref<!tpu.dma_semaphore, #tpu.memory_space<semaphore_mem>>)
    %add3A_3 = arith.constant 0 : i32
    %add3A_4 = arith.addi %mul3A_2, %add3A_3 : i32
    %multiple_of3A = tpu.assume_multiple %add3A_4, 16 : i32
    %dma_start3A = tpu.memref_slice %arg3[%multiple_of3A] : memref<12800000xi32, #tpu.memory_space<hbm>> -> memref<4000xi32, #tpu.memory_space<hbm>>
    %dma_start3A_5 = tpu.memref_slice %arg3[%multiple_of3A] : memref<12800000xi32, #tpu.memory_space<hbm>> -> memref<4000xi32, #tpu.memory_space<hbm>>
    tpu.enqueue_dma source(%dma_start3A_5 : memref<4000xi32, #tpu.memory_space<hbm>>) target(%arg7 : memref<4000xi32, #tpu.memory_space<vmem>>) target_semaphore(%arg15 : memref<!tpu.dma_semaphore, #tpu.memory_space<semaphore_mem>>)
    %add3A_6 = arith.constant 6400000 : i32
    %add3A_7 = arith.addi %add3A_6, %multiple_of3A : i32
    %dma_start3A_8 = tpu.memref_slice %arg3[%add3A_7] : memref<12800000xi32, #tpu.memory_space<hbm>> -> memref<4000xi32, #tpu.memory_space<hbm>>
    %dma_start3A_9 = tpu.memref_slice %arg3[%add3A_7] : memref<12800000xi32, #tpu.memory_space<hbm>> -> memref<4000xi32, #tpu.memory_space<hbm>>
    tpu.enqueue_dma source(%dma_start3A_9 : memref<4000xi32, #tpu.memory_space<hbm>>) target(%arg8 : memref<4000xi32, #tpu.memory_space<vmem>>) target_semaphore(%arg15 : memref<!tpu.dma_semaphore, #tpu.memory_space<semaphore_mem>>)
    %dma_start3A_10 = tpu.memref_slice %arg4[%multiple_of3A] : memref<6400000xf32, #tpu.memory_space<hbm>> -> memref<4000xf32, #tpu.memory_space<hbm>>
    %dma_start3A_11 = tpu.memref_slice %arg4[%multiple_of3A] : memref<6400000xf32, #tpu.memory_space<hbm>> -> memref<4000xf32, #tpu.memory_space<hbm>>
    tpu.enqueue_dma source(%dma_start3A_11 : memref<4000xf32, #tpu.memory_space<hbm>>) target(%arg9 : memref<4000xf32, #tpu.memory_space<vmem>>) target_semaphore(%arg15 : memref<!tpu.dma_semaphore, #tpu.memory_space<semaphore_mem>>)
    tpu.wait_dma2 semaphore(%arg14 : memref<!tpu.dma_semaphore, #tpu.memory_space<semaphore_mem>>) src(%arg2 : memref<100000xi32, #tpu.memory_space<hbm>>) dst(%arg6 : memref<100000xi32, #tpu.memory_space<vmem>>)
    %broadcast_in_dim3A = arith.constant 0.000000e+00 : f32
    %broadcast_in_dim3A_12 = vector.broadcast %broadcast_in_dim3A : f32 to vector<16xf32>
    %scan3A = arith.constant 0 : i32
    %scan3A_13 = arith.constant 25 : i32
    %scan3A_14 = arith.addi %scan3A, %scan3A_13 : i32
    %scan3A_15 = arith.constant 1 : i32
    %scan3A_16 = scf.for %scan3A_19 = %scan3A to %scan3A_14 step %scan3A_15 iter_args(%scan3A_20 = %broadcast_in_dim3A_12) -> (vector<16xf32>)  : i32 {
      %mul3A_21 = arith.constant 2 : i32
      %mul3A_22 = arith.muli %scan3A_19, %mul3A_21 : i32
      %add3A_23 = arith.constant 1 : i32
      %add3A_24 = arith.addi %mul3A_22, %add3A_23 : i32
      %mul3A_25 = arith.constant 4000 : i32
      %mul3A_26 = arith.muli %add3A_24, %mul3A_25 : i32
      %add3A_27 = arith.addi %mul3A_2, %mul3A_26 : i32
      %multiple_of3A_28 = tpu.assume_multiple %add3A_27, 16 : i32
      %dma_start3A_29 = tpu.memref_slice %arg3[%multiple_of3A_28] : memref<12800000xi32, #tpu.memory_space<hbm>> -> memref<4000xi32, #tpu.memory_space<hbm>>
      %dma_start3A_30 = tpu.memref_slice %arg3[%multiple_of3A_28] : memref<12800000xi32, #tpu.memory_space<hbm>> -> memref<4000xi32, #tpu.memory_space<hbm>>
      tpu.enqueue_dma source(%dma_start3A_30 : memref<4000xi32, #tpu.memory_space<hbm>>) target(%arg10 : memref<4000xi32, #tpu.memory_space<vmem>>) target_semaphore(%arg16 : memref<!tpu.dma_semaphore, #tpu.memory_space<semaphore_mem>>)
      %add3A_31 = arith.constant 6400000 : i32
      %add3A_32 = arith.addi %add3A_31, %multiple_of3A_28 : i32
      %dma_start3A_33 = tpu.memref_slice %arg3[%add3A_32] : memref<12800000xi32, #tpu.memory_space<hbm>> -> memref<4000xi32, #tpu.memory_space<hbm>>
      %dma_start3A_34 = tpu.memref_slice %arg3[%add3A_32] : memref<12800000xi32, #tpu.memory_space<hbm>> -> memref<4000xi32, #tpu.memory_space<hbm>>
      tpu.enqueue_dma source(%dma_start3A_34 : memref<4000xi32, #tpu.memory_space<hbm>>) target(%arg11 : memref<4000xi32, #tpu.memory_space<vmem>>) target_semaphore(%arg16 : memref<!tpu.dma_semaphore, #tpu.memory_space<semaphore_mem>>)
      %dma_start3A_35 = tpu.memref_slice %arg4[%multiple_of3A_28] : memref<6400000xf32, #tpu.memory_space<hbm>> -> memref<4000xf32, #tpu.memory_space<hbm>>
      %dma_start3A_36 = tpu.memref_slice %arg4[%multiple_of3A_28] : memref<6400000xf32, #tpu.memory_space<hbm>> -> memref<4000xf32, #tpu.memory_space<hbm>>
      tpu.enqueue_dma source(%dma_start3A_36 : memref<4000xf32, #tpu.memory_space<hbm>>) target(%arg12 : memref<4000xf32, #tpu.memory_space<vmem>>) target_semaphore(%arg16 : memref<!tpu.dma_semaphore, #tpu.memory_space<semaphore_mem>>)
      %dma_wait3A = arith.constant 0 : i32
      %dma_wait3A_37 = tpu.memref_slice %arg3[%dma_wait3A] : memref<12800000xi32, #tpu.memory_space<hbm>> -> memref<4000xi32, #tpu.memory_space<hbm>>
      %dma_wait3A_38 = arith.constant 0 : i32
      %dma_wait3A_39 = tpu.memref_slice %arg3[%dma_wait3A_38] : memref<12800000xi32, #tpu.memory_space<hbm>> -> memref<4000xi32, #tpu.memory_space<hbm>>
      tpu.wait_dma2 semaphore(%arg15 : memref<!tpu.dma_semaphore, #tpu.memory_space<semaphore_mem>>) src(%dma_wait3A_39 : memref<4000xi32, #tpu.memory_space<hbm>>) dst(%arg7 : memref<4000xi32, #tpu.memory_space<vmem>>)
      %dma_wait3A_40 = arith.constant 0 : i32
      %dma_wait3A_41 = tpu.memref_slice %arg3[%dma_wait3A_40] : memref<12800000xi32, #tpu.memory_space<hbm>> -> memref<4000xi32, #tpu.memory_space<hbm>>
      %dma_wait3A_42 = arith.constant 0 : i32
      %dma_wait3A_43 = tpu.memref_slice %arg3[%dma_wait3A_42] : memref<12800000xi32, #tpu.memory_space<hbm>> -> memref<4000xi32, #tpu.memory_space<hbm>>
      tpu.wait_dma2 semaphore(%arg15 : memref<!tpu.dma_semaphore, #tpu.memory_space<semaphore_mem>>) src(%dma_wait3A_43 : memref<4000xi32, #tpu.memory_space<hbm>>) dst(%arg8 : memref<4000xi32, #tpu.memory_space<vmem>>)
      %dma_wait3A_44 = arith.constant 0 : i32
      %dma_wait3A_45 = tpu.memref_slice %arg4[%dma_wait3A_44] : memref<6400000xf32, #tpu.memory_space<hbm>> -> memref<4000xf32, #tpu.memory_space<hbm>>
      %dma_wait3A_46 = arith.constant 0 : i32
      %dma_wait3A_47 = tpu.memref_slice %arg4[%dma_wait3A_46] : memref<6400000xf32, #tpu.memory_space<hbm>> -> memref<4000xf32, #tpu.memory_space<hbm>>
      tpu.wait_dma2 semaphore(%arg15 : memref<!tpu.dma_semaphore, #tpu.memory_space<semaphore_mem>>) src(%dma_wait3A_47 : memref<4000xf32, #tpu.memory_space<hbm>>) dst(%arg9 : memref<4000xf32, #tpu.memory_space<vmem>>)
      %parallel_loop3A = arith.constant 0 : i32
      %parallel_loop3A_48 = arith.constant 4000 : i32
      %parallel_loop3A_49 = arith.constant 16 : i32
      %parallel_loop3A_50 = scf.for %parallel_loop3A_71 = %parallel_loop3A to %parallel_loop3A_48 step %parallel_loop3A_49 iter_args(%parallel_loop3A_72 = %scan3A_20) -> (vector<16xf32>)  : i32 {
        %parallel_loop3A_73 = tpu.assume_multiple %parallel_loop3A_71, 16 : i32
        %parallel_loop3A_74 = arith.index_cast %parallel_loop3A_73 : i32 to index
        %parallel_loop3A_75 = tpu.vector_load %arg7[%parallel_loop3A_74] {strides = array<i32>} : memref<4000xi32, #tpu.memory_space<vmem>>, vector<16xi32>,
        %parallel_loop3A_76 = arith.index_cast %parallel_loop3A_73 : i32 to index
        %parallel_loop3A_77 = tpu.vector_load %arg8[%parallel_loop3A_76] {strides = array<i32>} : memref<4000xi32, #tpu.memory_space<vmem>>, vector<16xi32>,
        %parallel_loop3A_78 = tpu.vector_load_idx %arg6[%parallel_loop3A_75] : memref<100000xi32, #tpu.memory_space<vmem>>[vector<16xi32>], vector<16xi32>,
        %parallel_loop3A_79 = tpu.vector_load_idx %arg6[%parallel_loop3A_77] : memref<100000xi32, #tpu.memory_space<vmem>>[vector<16xi32>], vector<16xi32>,
        %parallel_loop3A_80 = arith.index_cast %parallel_loop3A_73 : i32 to index
        %parallel_loop3A_81 = tpu.vector_load %arg9[%parallel_loop3A_80] {strides = array<i32>} : memref<4000xf32, #tpu.memory_space<vmem>>, vector<16xf32>,
        %parallel_loop3A_82 = arith.constant 16 : i32
        %parallel_loop3A_83 = vector.broadcast %parallel_loop3A_82 : i32 to vector<16xi32>
        %parallel_loop3A_84 = arith.shli %parallel_loop3A_78, %parallel_loop3A_83 : vector<16xi32>
        %parallel_loop3A_85 = vector.bitcast %parallel_loop3A_84 : vector<16xi32> to vector<16xf32>
        %parallel_loop3A_86 = arith.constant -65536 : i32
        %parallel_loop3A_87 = vector.broadcast %parallel_loop3A_86 : i32 to vector<16xi32>
        %parallel_loop3A_88 = arith.andi %parallel_loop3A_78, %parallel_loop3A_87 : vector<16xi32>
        %parallel_loop3A_89 = vector.bitcast %parallel_loop3A_88 : vector<16xi32> to vector<16xf32>
        %parallel_loop3A_90 = arith.constant 16 : i32
        %parallel_loop3A_91 = vector.broadcast %parallel_loop3A_90 : i32 to vector<16xi32>
        %parallel_loop3A_92 = arith.shli %parallel_loop3A_79, %parallel_loop3A_91 : vector<16xi32>
        %parallel_loop3A_93 = vector.bitcast %parallel_loop3A_92 : vector<16xi32> to vector<16xf32>
        %parallel_loop3A_94 = arith.constant -65536 : i32
        %parallel_loop3A_95 = vector.broadcast %parallel_loop3A_94 : i32 to vector<16xi32>
        %parallel_loop3A_96 = arith.andi %parallel_loop3A_79, %parallel_loop3A_95 : vector<16xi32>
        %parallel_loop3A_97 = vector.bitcast %parallel_loop3A_96 : vector<16xi32> to vector<16xf32>
        %parallel_loop3A_98 = arith.subf %parallel_loop3A_85, %parallel_loop3A_93 : vector<16xf32>
        %parallel_loop3A_99 = arith.subf %parallel_loop3A_89, %parallel_loop3A_97 : vector<16xf32>
        %parallel_loop3A_100 = arith.mulf %parallel_loop3A_98, %parallel_loop3A_98 : vector<16xf32>
        %parallel_loop3A_101 = arith.mulf %parallel_loop3A_99, %parallel_loop3A_99 : vector<16xf32>
        %parallel_loop3A_102 = arith.addf %parallel_loop3A_100, %parallel_loop3A_101 : vector<16xf32>
        %parallel_loop3A_103 = vector.bitcast %parallel_loop3A_102 : vector<16xf32> to vector<16xi32>
        %parallel_loop3A_104 = arith.constant 1 : i32
        %parallel_loop3A_105 = vector.broadcast %parallel_loop3A_104 : i32 to vector<16xi32>
        %parallel_loop3A_106 = arith.shrsi %parallel_loop3A_103, %parallel_loop3A_105 : vector<16xi32>
        %parallel_loop3A_107 = arith.constant 1597463007 : i32
        %parallel_loop3A_108 = vector.broadcast %parallel_loop3A_107 : i32 to vector<16xi32>
        %parallel_loop3A_109 = arith.subi %parallel_loop3A_108, %parallel_loop3A_106 : vector<16xi32>
        %parallel_loop3A_110 = vector.bitcast %parallel_loop3A_109 : vector<16xi32> to vector<16xf32>
        %parallel_loop3A_111 = arith.constant 5.004700e-01 : f32
        %parallel_loop3A_112 = vector.broadcast %parallel_loop3A_111 : f32 to vector<16xf32>
        %parallel_loop3A_113 = arith.mulf %parallel_loop3A_112, %parallel_loop3A_102 : vector<16xf32>
        %parallel_loop3A_114 = arith.mulf %parallel_loop3A_113, %parallel_loop3A_110 : vector<16xf32>
        %parallel_loop3A_115 = arith.mulf %parallel_loop3A_114, %parallel_loop3A_110 : vector<16xf32>
        %parallel_loop3A_116 = arith.constant 1.501410e+00 : f32
        %parallel_loop3A_117 = vector.broadcast %parallel_loop3A_116 : f32 to vector<16xf32>
        %parallel_loop3A_118 = arith.subf %parallel_loop3A_117, %parallel_loop3A_115 : vector<16xf32>
        %parallel_loop3A_119 = arith.mulf %parallel_loop3A_110, %parallel_loop3A_118 : vector<16xf32>
        %parallel_loop3A_120 = arith.mulf %parallel_loop3A_102, %parallel_loop3A_119 : vector<16xf32>
        %parallel_loop3A_121 = arith.mulf %parallel_loop3A_120, %parallel_loop3A_81 : vector<16xf32>
        %parallel_loop3A_122 = arith.constant 1.000000e+00 : f32
        %parallel_loop3A_123 = vector.broadcast %parallel_loop3A_122 : f32 to vector<16xf32>
        %parallel_loop3A_124 = arith.subf %parallel_loop3A_121, %parallel_loop3A_123 : vector<16xf32>
        %parallel_loop3A_125 = arith.mulf %parallel_loop3A_124, %parallel_loop3A_124 : vector<16xf32>
        %parallel_loop3A_126 = arith.addf %parallel_loop3A_72, %parallel_loop3A_125 : vector<16xf32>
        scf.yield %parallel_loop3A_126 : vector<16xf32>
      } {sc.loop_unroll_factor = 4 : i64, sc.parallel_access}
      %add3A_51 = arith.constant 1 : i32
      %add3A_52 = arith.addi %scan3A_19, %add3A_51 : i32
      %lt3A = arith.constant 25 : i32
      %lt3A_53 = arith.cmpi slt, %add3A_52, %lt3A : i32
      %convert_element_type3A = arith.extui %lt3A_53 : i1 to i32
      %cond3A = arith.constant 0 : i32
      %cond3A_54 = arith.cmpi ne, %convert_element_type3A, %cond3A : i32
      scf.if %cond3A_54 {
        %add3A_71 = arith.constant 2 : i32
        %add3A_72 = arith.addi %mul3A_22, %add3A_71 : i32
        %mul3A_73 = arith.constant 4000 : i32
        %mul3A_74 = arith.muli %add3A_72, %mul3A_73 : i32
        %add3A_75 = arith.addi %mul3A_2, %mul3A_74 : i32
        %multiple_of3A_76 = tpu.assume_multiple %add3A_75, 16 : i32
        %dma_start3A_77 = tpu.memref_slice %arg3[%multiple_of3A_76] : memref<12800000xi32, #tpu.memory_space<hbm>> -> memref<4000xi32, #tpu.memory_space<hbm>>
        %dma_start3A_78 = tpu.memref_slice %arg3[%multiple_of3A_76] : memref<12800000xi32, #tpu.memory_space<hbm>> -> memref<4000xi32, #tpu.memory_space<hbm>>
        tpu.enqueue_dma source(%dma_start3A_78 : memref<4000xi32, #tpu.memory_space<hbm>>) target(%arg7 : memref<4000xi32, #tpu.memory_space<vmem>>) target_semaphore(%arg15 : memref<!tpu.dma_semaphore, #tpu.memory_space<semaphore_mem>>)
        %add3A_79 = arith.constant 6400000 : i32
        %add3A_80 = arith.addi %add3A_79, %multiple_of3A_76 : i32
        %dma_start3A_81 = tpu.memref_slice %arg3[%add3A_80] : memref<12800000xi32, #tpu.memory_space<hbm>> -> memref<4000xi32, #tpu.memory_space<hbm>>
        %dma_start3A_82 = tpu.memref_slice %arg3[%add3A_80] : memref<12800000xi32, #tpu.memory_space<hbm>> -> memref<4000xi32, #tpu.memory_space<hbm>>
        tpu.enqueue_dma source(%dma_start3A_82 : memref<4000xi32, #tpu.memory_space<hbm>>) target(%arg8 : memref<4000xi32, #tpu.memory_space<vmem>>) target_semaphore(%arg15 : memref<!tpu.dma_semaphore, #tpu.memory_space<semaphore_mem>>)
        %dma_start3A_83 = tpu.memref_slice %arg4[%multiple_of3A_76] : memref<6400000xf32, #tpu.memory_space<hbm>> -> memref<4000xf32, #tpu.memory_space<hbm>>
        %dma_start3A_84 = tpu.memref_slice %arg4[%multiple_of3A_76] : memref<6400000xf32, #tpu.memory_space<hbm>> -> memref<4000xf32, #tpu.memory_space<hbm>>
        tpu.enqueue_dma source(%dma_start3A_84 : memref<4000xf32, #tpu.memory_space<hbm>>) target(%arg9 : memref<4000xf32, #tpu.memory_space<vmem>>) target_semaphore(%arg15 : memref<!tpu.dma_semaphore, #tpu.memory_space<semaphore_mem>>)
      } else {
      }
      %dma_wait3A_55 = arith.constant 0 : i32
      %dma_wait3A_56 = tpu.memref_slice %arg3[%dma_wait3A_55] : memref<12800000xi32, #tpu.memory_space<hbm>> -> memref<4000xi32, #tpu.memory_space<hbm>>
      %dma_wait3A_57 = arith.constant 0 : i32
      %dma_wait3A_58 = tpu.memref_slice %arg3[%dma_wait3A_57] : memref<12800000xi32, #tpu.memory_space<hbm>> -> memref<4000xi32, #tpu.memory_space<hbm>>
      tpu.wait_dma2 semaphore(%arg16 : memref<!tpu.dma_semaphore, #tpu.memory_space<semaphore_mem>>) src(%dma_wait3A_58 : memref<4000xi32, #tpu.memory_space<hbm>>) dst(%arg10 : memref<4000xi32, #tpu.memory_space<vmem>>)
      %dma_wait3A_59 = arith.constant 0 : i32
      %dma_wait3A_60 = tpu.memref_slice %arg3[%dma_wait3A_59] : memref<12800000xi32, #tpu.memory_space<hbm>> -> memref<4000xi32, #tpu.memory_space<hbm>>
      %dma_wait3A_61 = arith.constant 0 : i32
      %dma_wait3A_62 = tpu.memref_slice %arg3[%dma_wait3A_61] : memref<12800000xi32, #tpu.memory_space<hbm>> -> memref<4000xi32, #tpu.memory_space<hbm>>
      tpu.wait_dma2 semaphore(%arg16 : memref<!tpu.dma_semaphore, #tpu.memory_space<semaphore_mem>>) src(%dma_wait3A_62 : memref<4000xi32, #tpu.memory_space<hbm>>) dst(%arg11 : memref<4000xi32, #tpu.memory_space<vmem>>)
      %dma_wait3A_63 = arith.constant 0 : i32
      %dma_wait3A_64 = tpu.memref_slice %arg4[%dma_wait3A_63] : memref<6400000xf32, #tpu.memory_space<hbm>> -> memref<4000xf32, #tpu.memory_space<hbm>>
      %dma_wait3A_65 = arith.constant 0 : i32
      %dma_wait3A_66 = tpu.memref_slice %arg4[%dma_wait3A_65] : memref<6400000xf32, #tpu.memory_space<hbm>> -> memref<4000xf32, #tpu.memory_space<hbm>>
      tpu.wait_dma2 semaphore(%arg16 : memref<!tpu.dma_semaphore, #tpu.memory_space<semaphore_mem>>) src(%dma_wait3A_66 : memref<4000xf32, #tpu.memory_space<hbm>>) dst(%arg12 : memref<4000xf32, #tpu.memory_space<vmem>>)
      %parallel_loop3A_67 = arith.constant 0 : i32
      %parallel_loop3A_68 = arith.constant 4000 : i32
      %parallel_loop3A_69 = arith.constant 16 : i32
      %parallel_loop3A_70 = scf.for %parallel_loop3A_71 = %parallel_loop3A_67 to %parallel_loop3A_68 step %parallel_loop3A_69 iter_args(%parallel_loop3A_72 = %parallel_loop3A_50) -> (vector<16xf32>)  : i32 {
        %parallel_loop3A_73 = tpu.assume_multiple %parallel_loop3A_71, 16 : i32
        %parallel_loop3A_74 = arith.index_cast %parallel_loop3A_73 : i32 to index
        %parallel_loop3A_75 = tpu.vector_load %arg10[%parallel_loop3A_74] {strides = array<i32>} : memref<4000xi32, #tpu.memory_space<vmem>>, vector<16xi32>,
        %parallel_loop3A_76 = arith.index_cast %parallel_loop3A_73 : i32 to index
        %parallel_loop3A_77 = tpu.vector_load %arg11[%parallel_loop3A_76] {strides = array<i32>} : memref<4000xi32, #tpu.memory_space<vmem>>, vector<16xi32>,
        %parallel_loop3A_78 = tpu.vector_load_idx %arg6[%parallel_loop3A_75] : memref<100000xi32, #tpu.memory_space<vmem>>[vector<16xi32>], vector<16xi32>,
        %parallel_loop3A_79 = tpu.vector_load_idx %arg6[%parallel_loop3A_77] : memref<100000xi32, #tpu.memory_space<vmem>>[vector<16xi32>], vector<16xi32>,
        %parallel_loop3A_80 = arith.index_cast %parallel_loop3A_73 : i32 to index
        %parallel_loop3A_81 = tpu.vector_load %arg12[%parallel_loop3A_80] {strides = array<i32>} : memref<4000xf32, #tpu.memory_space<vmem>>, vector<16xf32>,
        %parallel_loop3A_82 = arith.constant 16 : i32
        %parallel_loop3A_83 = vector.broadcast %parallel_loop3A_82 : i32 to vector<16xi32>
        %parallel_loop3A_84 = arith.shli %parallel_loop3A_78, %parallel_loop3A_83 : vector<16xi32>
        %parallel_loop3A_85 = vector.bitcast %parallel_loop3A_84 : vector<16xi32> to vector<16xf32>
        %parallel_loop3A_86 = arith.constant -65536 : i32
        %parallel_loop3A_87 = vector.broadcast %parallel_loop3A_86 : i32 to vector<16xi32>
        %parallel_loop3A_88 = arith.andi %parallel_loop3A_78, %parallel_loop3A_87 : vector<16xi32>
        %parallel_loop3A_89 = vector.bitcast %parallel_loop3A_88 : vector<16xi32> to vector<16xf32>
        %parallel_loop3A_90 = arith.constant 16 : i32
        %parallel_loop3A_91 = vector.broadcast %parallel_loop3A_90 : i32 to vector<16xi32>
        %parallel_loop3A_92 = arith.shli %parallel_loop3A_79, %parallel_loop3A_91 : vector<16xi32>
        %parallel_loop3A_93 = vector.bitcast %parallel_loop3A_92 : vector<16xi32> to vector<16xf32>
        %parallel_loop3A_94 = arith.constant -65536 : i32
        %parallel_loop3A_95 = vector.broadcast %parallel_loop3A_94 : i32 to vector<16xi32>
        %parallel_loop3A_96 = arith.andi %parallel_loop3A_79, %parallel_loop3A_95 : vector<16xi32>
        %parallel_loop3A_97 = vector.bitcast %parallel_loop3A_96 : vector<16xi32> to vector<16xf32>
        %parallel_loop3A_98 = arith.subf %parallel_loop3A_85, %parallel_loop3A_93 : vector<16xf32>
        %parallel_loop3A_99 = arith.subf %parallel_loop3A_89, %parallel_loop3A_97 : vector<16xf32>
        %parallel_loop3A_100 = arith.mulf %parallel_loop3A_98, %parallel_loop3A_98 : vector<16xf32>
        %parallel_loop3A_101 = arith.mulf %parallel_loop3A_99, %parallel_loop3A_99 : vector<16xf32>
        %parallel_loop3A_102 = arith.addf %parallel_loop3A_100, %parallel_loop3A_101 : vector<16xf32>
        %parallel_loop3A_103 = vector.bitcast %parallel_loop3A_102 : vector<16xf32> to vector<16xi32>
        %parallel_loop3A_104 = arith.constant 1 : i32
        %parallel_loop3A_105 = vector.broadcast %parallel_loop3A_104 : i32 to vector<16xi32>
        %parallel_loop3A_106 = arith.shrsi %parallel_loop3A_103, %parallel_loop3A_105 : vector<16xi32>
        %parallel_loop3A_107 = arith.constant 1597463007 : i32
        %parallel_loop3A_108 = vector.broadcast %parallel_loop3A_107 : i32 to vector<16xi32>
        %parallel_loop3A_109 = arith.subi %parallel_loop3A_108, %parallel_loop3A_106 : vector<16xi32>
        %parallel_loop3A_110 = vector.bitcast %parallel_loop3A_109 : vector<16xi32> to vector<16xf32>
        %parallel_loop3A_111 = arith.constant 5.004700e-01 : f32
        %parallel_loop3A_112 = vector.broadcast %parallel_loop3A_111 : f32 to vector<16xf32>
        %parallel_loop3A_113 = arith.mulf %parallel_loop3A_112, %parallel_loop3A_102 : vector<16xf32>
        %parallel_loop3A_114 = arith.mulf %parallel_loop3A_113, %parallel_loop3A_110 : vector<16xf32>
        %parallel_loop3A_115 = arith.mulf %parallel_loop3A_114, %parallel_loop3A_110 : vector<16xf32>
        %parallel_loop3A_116 = arith.constant 1.501410e+00 : f32
        %parallel_loop3A_117 = vector.broadcast %parallel_loop3A_116 : f32 to vector<16xf32>
        %parallel_loop3A_118 = arith.subf %parallel_loop3A_117, %parallel_loop3A_115 : vector<16xf32>
        %parallel_loop3A_119 = arith.mulf %parallel_loop3A_110, %parallel_loop3A_118 : vector<16xf32>
        %parallel_loop3A_120 = arith.mulf %parallel_loop3A_102, %parallel_loop3A_119 : vector<16xf32>
        %parallel_loop3A_121 = arith.mulf %parallel_loop3A_120, %parallel_loop3A_81 : vector<16xf32>
        %parallel_loop3A_122 = arith.constant 1.000000e+00 : f32
        %parallel_loop3A_123 = vector.broadcast %parallel_loop3A_122 : f32 to vector<16xf32>
        %parallel_loop3A_124 = arith.subf %parallel_loop3A_121, %parallel_loop3A_123 : vector<16xf32>
        %parallel_loop3A_125 = arith.mulf %parallel_loop3A_124, %parallel_loop3A_124 : vector<16xf32>
        %parallel_loop3A_126 = arith.addf %parallel_loop3A_72, %parallel_loop3A_125 : vector<16xf32>
        scf.yield %parallel_loop3A_126 : vector<16xf32>
      } {sc.loop_unroll_factor = 4 : i64, sc.parallel_access}
      scf.yield %parallel_loop3A_70 : vector<16xf32>
    }
    %scan3A_17 = arith.constant 25 : i32
    %swap3A = arith.constant 0 : index
    %swap3A_18 = tpu.vector_load %arg13[%swap3A] {strides = array<i32>} : memref<16xf32, #tpu.memory_space<vmem>>, vector<16xf32>,
    tpu.vector_store %arg13[%swap3A], %scan3A_16 {strides = array<i32>} : memref<16xf32, #tpu.memory_space<vmem>>, vector<16xf32>,
    "tpu.region"() ({
      %run_scoped3A = tpu.sem_alloc : memref<!tpu.dma_semaphore, #tpu.memory_space<semaphore_mem>>
      %dma_start3A_19 = arith.constant 0 : i32
      %dma_start3A_20 = tpu.memref_slice %arg5[%add3A, %dma_start3A_19] : memref<32x16xf32, #tpu.memory_space<hbm>> -> memref<1x16xf32, #tpu.memory_space<hbm>>
      %dma_start3A_21 = tpu.memref_squeeze %dma_start3A_20 : memref<1x16xf32, #tpu.memory_space<hbm>> -> memref<16xf32, #tpu.memory_space<hbm>>
      %dma_start3A_22 = arith.constant 0 : i32
      %dma_start3A_23 = tpu.memref_slice %arg5[%add3A, %dma_start3A_22] : memref<32x16xf32, #tpu.memory_space<hbm>> -> memref<1x16xf32, #tpu.memory_space<hbm>>
      %dma_start3A_24 = tpu.memref_squeeze %dma_start3A_23 : memref<1x16xf32, #tpu.memory_space<hbm>> -> memref<16xf32, #tpu.memory_space<hbm>>
      tpu.enqueue_dma source(%arg13 : memref<16xf32, #tpu.memory_space<vmem>>) target(%dma_start3A_24 : memref<16xf32, #tpu.memory_space<hbm>>) target_semaphore(%run_scoped3A : memref<!tpu.dma_semaphore, #tpu.memory_space<semaphore_mem>>)
      %dma_wait3A = arith.constant 0 : i32
      %dma_wait3A_25 = tpu.memref_slice %arg5[%add3A, %dma_wait3A] : memref<32x16xf32, #tpu.memory_space<hbm>> -> memref<1x16xf32, #tpu.memory_space<hbm>>
      %dma_wait3A_26 = tpu.memref_squeeze %dma_wait3A_25 : memref<1x16xf32, #tpu.memory_space<hbm>> -> memref<16xf32, #tpu.memory_space<hbm>>
      %dma_wait3A_27 = arith.constant 0 : i32
      %dma_wait3A_28 = tpu.memref_slice %arg5[%add3A, %dma_wait3A_27] : memref<32x16xf32, #tpu.memory_space<hbm>> -> memref<1x16xf32, #tpu.memory_space<hbm>>
      %dma_wait3A_29 = tpu.memref_squeeze %dma_wait3A_28 : memref<1x16xf32, #tpu.memory_space<hbm>> -> memref<16xf32, #tpu.memory_space<hbm>>
      tpu.wait_dma2 semaphore(%run_scoped3A : memref<!tpu.dma_semaphore, #tpu.memory_space<semaphore_mem>>) src(%arg13 : memref<16xf32, #tpu.memory_space<vmem>>) dst(%dma_wait3A_29 : memref<16xf32, #tpu.memory_space<hbm>>)
      tpu.yield
    }) : () -> ()
    return
  }
}

</mosaic_0001>

<sc_bundles>
// kernel: kernel.3.cloned.1.call-start
scs
__scs_entry_jumppad:
0x0: {  	(pc) =	sbr.rel $0x88, $3  }
0x1: {  	(tag) =	ssettag $0x0;
	lr =	simm.s32 $0x1  }
0x2: {  	[smem:$0x3F9E] =	sst lr;
	_ =	strace $0xD0000000  }
0x3: {  	_ = 	snop  }
0x4: {  	_ = 	snop  }
0x5: {  	_ = 	snop  }
0x6: {  	_ = 	snop  }
0x7: {  	_ = 	snop  }
__scs_overlays_trampoline_lowered:
0x8: {  	[smem:$0x3FAD] =	sst s0  }
0x9: {  	[smem:$0x3FAE] =	sst s1  }
0xa: {  	[smem:$0x3FAF] =	sst s2  }
0xb: {  	[smem:$0x3FB0] =	sst s3  }
0xc: {  	[smem:$0x3FB1] =	sst s4  }
0xd: {  	[smem:$0x3FB2] =	sst s5  }
0xe: {  	[smem:$0x3FB3] =	sst s6  }
0xf: {  	[smem:$0x3FB4] =	sst s7  }
0x10: {  	[smem:$0x3FB5] =	sst s8  }
0x11: {  	[smem:$0x3FB6] =	sst s9;
	s0 =	simm.s32 @!p0 $0x0  }
0x12: {  	s1 =	sld [smem:$0x3F9C];
	s0 =	simm.s32 @p0 $0x1  }
0x13: {  	[smem:$0x3FB7] =	sst s0;
	s0 =	simm.s32 @!p1 $0x0  }
0x14: {  	s2 =	sld [smem:$0x3F9B];
	s0 =	simm.s32 @p1 $0x1  }
0x15: {  	[smem:$0x3FB8] =	sst s0;
	s0 =	simm.s32 @!p2 $0x0  }
0x16: {  	s3 =	sld [smem:$0x3FDB];
	s0 =	simm.s32 @p2 $0x1  }
0x17: {  	s4 =	simm.s32 $0x1BF5;
	[smem:$0x3FBA] =	sst s0  }
0x18: {  	s0 =	sld [smem:$0x3F9D];
	_ =	swait.ge [sflag:s4], $0x0  }
0x19: {  	s7 =	sld [smem:$0x3F9E]  }
0x1a: {  	s8 =	sadd.s32 $0xFFFFE003, lr  }
0x1b: {  	s9 =	sadd.s32 $0xFFFFFEF7, lr;
	s5 =	simm.s32 $0xFFFFFFFF;
	p2 =	slt.u32 s8, $0xFFFFF086  }
0x1c: {  	p1 =	slt.u32 s9, $0xF7A;
	s5 =	simm.s32 @!p2 $0x0  }
0x1d: {  	s5 =	simm.s32 @p1 $0x1;
	p0 =	seq.s32 s7, s2  }
0x1e: {  	s7 =	smul.u32 @!p0 $0xF7A, s2;
	p2 =	seq.s32 @!p0 s5, $0x0  }
0x1f: {  	s9 =	smul.u32 $0xF7A, s1;
	s8 =	simm.s32 @!p0 $0x1BF5;
	p2 =	por !p2, p0  }
0x20: {  	[sflag:s8] =	ssyncset.s32 @!p0 $0xFFFFF086;
	s6 =	sadd.s32 @!p0 s3, s7;
	s7 =	simm.s32 @!p0 $0x108  }
0x21: {  	s3 =	sadd.s32 s3, s9;
	s6 =	sadd.s32 @!p0 $0x88, s6;
	s7 =	simm.s32 @p2 $0x1082  }
0x22: {  	[simem:s7], [sflag:s8] =	dma.local @!p0 [hbm:s6], $0xF7A  }
0x23: {  	s9 =	sor.u32 $0xD0000000, s2;
	s6 =	simm.s32 $0x108;
	_ =	swait.ge @!p0 [sflag:s8], $0x0  }
0x24: {  	s3 =	sadd.s32 $0x88, s3;
	s6 =	simm.s32 @!p1 $0x1082;
	[sflag:s4] =	ssyncset.s32 $0xFFFFF086  }
0x25: {  	[simem:s6], [sflag:s4] =	dma.local [hbm:s3], $0xF7A  }
0x26: {  	[smem:$0x3F9E] =	sst s1;
	(tag) =	ssettag s2;
	_ =	strace s9  }
0x27: {  	s1 =	sld [smem:$0x3FAE]  }
0x28: {  	s2 =	sld [smem:$0x3FAF]  }
0x29: {  	s4 =	sld [smem:$0x3FB1]  }
0x2a: {  	p0 =	seq.s32 s5, $0x0;
	s5 =	sld [smem:$0x3FB2]  }
0x2b: {  	s6 =	sld [smem:$0x3FB3]  }
0x2c: {  	s7 =	sld [smem:$0x3FB4]  }
0x2d: {  	s3 =	simm.s32 $0x108;
	s8 =	sld [smem:$0x3FB5]  }
0x2e: {  	s3 =	simm.s32 @!p0 $0x1082;
	s9 =	sld [smem:$0x3FB6]  }
0x2f: {  	lr =	sadd.s32 s0, s3;
	s0 =	sld [smem:$0x3FAD]  }
0x30: {  	s3 =	sld [smem:$0x3FB0]  }
0x31: {  	[smem:$0x3FB9] =	sst s10  }
0x32: {  	s10 =	sld [smem:$0x3FB7];
	_ =	sdelay $0x3  }
0x33: {  	p0 =	seq.s32 s10, $0x1;
	s10 =	sld [smem:$0x3FB9];
	_ =	sdelay $0x3  }
0x34: {  	[smem:$0x3FB9] =	sst s10  }
0x35: {  	s10 =	sld [smem:$0x3FB8];
	_ =	sdelay $0x3  }
0x36: {  	p1 =	seq.s32 s10, $0x1;
	s10 =	sld [smem:$0x3FB9];
	_ =	sdelay $0x3  }
0x37: {  	[smem:$0x3FB9] =	sst s10  }
0x38: {  	s10 =	sld [smem:$0x3FBA]  }
0x39: {  	_ = 	snop;
	(pc) =	sbr.ind lr, $3  }
0x3a: {  	_ = 	snop  }
0x3b: {  	_ = 	snop  }
0x3c: {  	p2 =	seq.s32 s10, $0x1;
	s10 =	sld [smem:$0x3FB9]  }
0x3d: {  	_ =	shalt  }
0x3e: {  	_ =	shalt  }
0x3f: {  	_ =	shalt  }
0x40: {  	_ =	shalt  }
0x41: {  	_ =	shalt  }
0x42: {  	_ =	shalt  }
0x43: {  	_ =	shalt  }
0x44: {  	_ =	shalt  }
0x45: {  	_ =	shalt  }
0x46: {  	_ =	shalt  }
0x47: {  	_ =	shalt  }
0x48: {  	_ =	shalt  }
0x49: {  	_ =	shalt  }
0x4a: {  	_ =	shalt  }
0x4b: {  	_ =	shalt  }
0x4c: {  	_ =	shalt  }
0x4d: {  	_ =	shalt  }
0x4e: {  	_ =	shalt  }
0x4f: {  	_ =	shalt  }
0x50: {  	_ =	shalt  }
0x51: {  	_ =	shalt  }
0x52: {  	_ =	shalt  }
0x53: {  	_ =	shalt  }
0x54: {  	_ =	shalt  }
0x55: {  	_ =	shalt  }
0x56: {  	_ =	shalt  }
0x57: {  	_ =	shalt  }
0x58: {  	_ =	shalt  }
0x59: {  	_ =	shalt  }
0x5a: {  	_ =	shalt  }
0x5b: {  	_ =	shalt  }
0x5c: {  	_ =	shalt  }
0x5d: {  	_ =	shalt  }
0x5e: {  	_ =	shalt  }
0x5f: {  	_ =	shalt  }
0x60: {  	_ =	shalt  }
0x61: {  	_ =	shalt  }
0x62: {  	_ =	shalt  }
0x63: {  	_ =	shalt  }
0x64: {  	_ =	shalt  }
0x65: {  	_ =	shalt  }
0x66: {  	_ =	shalt  }
0x67: {  	_ =	shalt  }
0x68: {  	_ =	shalt  }
0x69: {  	_ =	shalt  }
0x6a: {  	_ =	shalt  }
0x6b: {  	_ =	shalt  }
0x6c: {  	_ =	shalt  }
0x6d: {  	_ =	shalt  }
0x6e: {  	_ =	shalt  }
0x6f: {  	_ =	shalt  }
0x70: {  	_ =	shalt  }
0x71: {  	_ =	shalt  }
0x72: {  	_ =	shalt  }
0x73: {  	_ =	shalt  }
0x74: {  	_ =	shalt  }
0x75: {  	_ =	shalt  }
0x76: {  	_ =	shalt  }
0x77: {  	_ =	shalt  }
0x78: {  	_ =	shalt  }
0x79: {  	_ =	shalt  }
0x7a: {  	_ =	shalt  }
0x7b: {  	_ =	shalt  }
0x7c: {  	_ =	shalt  }
0x7d: {  	_ =	shalt  }
0x7e: {  	_ =	shalt  }
0x7f: {  	_ =	shalt  }
0x80: {  	_ =	shalt  }
0x81: {  	_ =	shalt  }
0x82: {  	_ =	shalt  }
0x83: {  	_ =	shalt  }
0x84: {  	_ =	shalt  }
0x85: {  	_ =	shalt  }
0x86: {  	_ =	shalt  }
0x87: {  	_ =	shalt  }
.Lfunc_end0:
.L_simem_size_0:
called_computation.1_lowered:
.L_overlay_start_0:
0x88: {  	s2 =	sld [smem:$0x3FD9]  }
0x89: {  	s3 =	sld [smem:$0x3FFE];
	_ =	sdelay $0x1  }
0x8a: {  	s1 =	srdreg.scid  }
0x8b: {  	s0 =	sand.u32 $0x1, s1  }
0x8c: {  	s16 =	sshll.u32 s0, $0xA;
	s2 =	sadd.s32 s3, s2  }
0x8d: {  	s2 =	sadd.s32 s2, s16  }
0x8e: {  	[smem:$0x3FC5] =	sst s2  }
0x8f: {  	_ = 	snop  }
0x90: {  	(tm) =	ssettm $0x1  }
0x91: {  	s17 =	sld [smem:$0x3FFB];
	_ =	sdelay $0x3  }
0x92: {  	_ =	strace s17  }
0x93: {  	s2 =	sld [smem:$0x3FFC];
	_ =	sdelay $0x3  }
0x94: {  	_ =	strace s2  }
0x95: {  	s2 =	sld [smem:$0x3FFD];
	_ =	sdelay $0x3  }
0x96: {  	_ =	strace s2  }
0x97: {  	_ =	strace $0x8FFFFFFF  }
0x98: {  	s18 =	sld [smem:$0x3FDB];
	_ =	sdelay $0x1  }
0x99: {  	s19 =	simm.s32 $_scs_section_size  }
0x9a: {  	s4 =	simm.s32 $_size__tile_overlayer_lowered;
	s5 =	simm.s32 $_tile_overlayer_lowered  }
0x9b: {  	s22 =	simm.s32 $0x1BFF;
	s21 =	sshll.u32 s5, $0x1;
	s2 =	sadd.s32 s19, s18  }
0x9c: {  	s6 =	simm.s32 $0x0;
	s20 =	sshll.u32 s4, $0x1;
	s4 =	sadd.s32 s21, s2  }
0x9d: {  	[timem:s6], [sflag:s22] =	dma.local [hbm:s4], s20  }
0x9e: {  	_ =	swait.ge [sflag:s22], s20  }
0x9f: {  	s3 =	ssub.s32 $0x0, s20;
	[sflag:s22] =	ssyncset.done $0x0  }
0xa0: {  	[sflag:s22] =	ssyncadd.s32 s3;
	_ =	sdelay $0x1  }
0xa1: {  	s23 =	simm.s32 $0x1B8B  }
0xa2: {  	_ =	swait.ge [sflag:s23], $0x1  }
0xa3: {  	[sflag:s23] =	ssyncset.done $0x0  }
0xa4: {  	s25 =	simm.s32 $0x1B8E;
	s24 =	sld [smem:$0x3FFE];
	[sflag:s23] =	ssyncadd.s32 $0xFFFFFFFF  }
0xa5: {  	s26 =	simm.s32 $execute0_lowered;
	[smem:$0x3FD2] =	sst s25  }
0xa6: {  	s4 =	sshll.u32 s26, $0x1;
	_ =	strace $0x80000049;
	[dreg:$0x1] =	wrdreg $0xFFFFFFFF  }
0xa7: {  	s28 =	simm.s32 $_size_execute0_lowered;
	s2 =	sadd.s32 s2, s4;
	[dreg:$0x0] =	wrdreg $0x0  }
0xa8: {  	s4 =	sshll.u32 s28, $0x1;
	[dreg:$0x2] =	wrdreg s2  }
0xa9: {  	[dreg:$0x3] =	wrdreg s4  }
0xaa: {  	[dreg:$0x4] =	wrdreg $0xC0  }
0xab: {  	_ =	task [dreg:s6], $0x5FFFF  }
0xac: {  	[dreg:$0x1] =	wrdreg $0xFFFFFFFF  }
0xad: {  	[dreg:$0x0] =	wrdreg $0x60  }
0xae: {  	[dreg:$0x2] =	wrdreg s24  }
0xaf: {  	[dreg:$0x3] =	wrdreg $0x9  }
0xb0: {  	_ =	task.clear_ibuf [dreg:s6], $0x4FFFF;
	_ =	strace $0x90000049  }
0xb1: {  	s29 =	simm.s32 $0x9;
	_ =	strace $0x8000004B  }
0xb2: {  	_ =	swait.ge [sflag:s29], $0x1  }
0xb3: {  	[sflag:s29] =	ssyncadd.s32 $0xFFFFFFFF  }
0xb4: {  	_ =	strace $0x9000004B  }
0xb5: {  	_ =	sfence  }
0xb6: {  	s30 =	sld [smem:$0x0];
	_ =	sdelay $0x2  }
0xb7: {  	s31 =	sshll.u32 s1, $0xD;
	s1 =	sshrl.u32 s1, $0x2  }
0xb8: {  	s3 =	sand.u32 $0x4000, s31;
	s1 =	sadd.s32 s1, s30  }
0xb9: {  	s0 =	sor.u32 s3, s0;
	s1 =	sshll.u32 s1, $0x11  }
0xba: {  	s0 =	sor.u32 s1, s0  }
0xbb: {  	s0 =	sadd.s32 $0x8F2B, s0  }
0xbc: {  	[sflag:s0] =	ssyncadd.remote.s32 $0x1  }
0xbd: {  	_ =	sfence.sel $0xFFFF  }
0xbe: {  	[dreg:$0x0] =	wrdreg $0xFFFFFFFF;
	(pc) =	sbr.abs _section_cstart, $3  }
0xbf: {  	[dreg:$0x1] =	wrdreg $0xFFFFFFFF  }
0xc0: {  	_ =	task.clear_ibuf [dreg:s6], $0x2FFFF;
	_ =	strace $0x9FFFFFFF  }
0xc1: {  	(tm) =	ssettm $0x7FFFFFFF  }
tec
execute0_lowered:
.L_overlay_start_1:
0x0: {  	(tag) =	ssettag $0x1  }
0x1: {  	s2 =	rddreg [dreg:$0x0];
	s0 =	srdreg.scid  }
0x2: {  	s1 =	stileid.u32;
	s3 =	simm.s32 $0x0;
	s15 =	simm.s32 $0x1A700  }
0x3: {  	s16 =	simm.s32 $0x1;
	s17 =	simm.s32 $0x1B700;
	s18 =	simm.s32 $0x1C700  }
0x4: {  	s19 =	simm.s32 $0x1D700;
	s20 =	simm.s32 $0x2;
	s21 =	simm.s32 $0x3  }
0x5: {  	s22 =	simm.s32 $0x1E700;
	s23 =	simm.s32 $0x4;
	s24 =	simm.s32 $0x0  }
0x6: {  	s0 =	sand.u32 $0x1, s0;
	s1 =	sshll.u32 s1, $0x1;
	[smem:$0x7FF] =	sst s3  }
0x7: {  	s4 =	sadd.s32 $0x24A000, s2;
	s5 =	sadd.s32 $0x186A00, s2;
	s1 =	sor.u32 s0, s1  }
0x8: {  	s0 =	ssub.s32 $0x2, s0;
	s10 =	smul.u32 $0x30D40, s1;
	s1 =	sshll.u32 s1, $0x4  }
0x9: {  	_ =	strace $0x8000004A;
	s6 =	sshrl.u32 s0, $0x1;
	s1 =	sadd.s32 s1, s2  }
0xa: {  	s0 =	ssub.s32 s0, s6;
	s8 =	sshrl.u32 s10, $0x3;
	s9 =	sadd.s32 $0xFA0, s10  }
0xb: {  	s10 =	sadd.s32 $0x1F40, s10;
	s11 =	sadd.s32 $0x24D200, s1;
	s6 =	sadd.s32 s2, s8  }
0xc: {  	s12 =	smax.u32 s0, $0x1;
	s8 =	sadd.s32 s5, s8;
	s7 =	sadd.s32 $0xC3500, s6  }
.LBB2_1:
0xd: {  	[tilespmem:s3], [sflag:$0x1] =	stream.linear.gather [hbm4b:s4+s3], $0x18700, $0x38;
	[tilespmem:$0x1E780] =	vst v63  }
0xe: {  	s0 =	simm.s32 $0x18700  }
0xf: {  	[tilespmem:s0], [sflag:$0x2] =	stream.linear.gather [hbm4b:s6+s3], $0xFA0, $0x38;
	[tilespmem:$0x1E780] =	vst v63  }
0x10: {  	s31 =	simm.s32 $0x19700  }
0x11: {  	[tilespmem:s31], [sflag:$0x2] =	stream.linear.gather [hbm4b:s7+s3], $0xFA0, $0x38;
	[tilespmem:$0x1E780] =	vst v63  }
0x12: {  	_ = 	snop  }
0x13: {  	[tilespmem:s15], [sflag:$0x2] =	stream.linear.gather [hbm4b:s8+s3], $0xFA0, $0x38;
	[tilespmem:$0x1E780] =	vst v63  }
0x14: {  	_ =	swait.ge [sflag:s16], $0x18700  }
0x15: {  	[sflag:s16] =	ssyncset.done $0x0  }
0x16: {  	v0 =	vimm.f32 $0.0e+00;
	s25 =	simm.s32 $0x0;
	[sflag:s16] =	ssyncadd.s32 $0xFFFE7900  }
.LBB2_3:
0x17: {  	s26 =	smul.u32 $0x1F40, s25;
	_ =	sdelay $0x1  }
0x18: {  	s0 =	sadd.s32 s26, s9  }
0x19: {  	s0 =	sshrl.u32 s0, $0x3  }
0x1a: {  	s1 =	sadd.s32 s2, s0  }
0x1b: {  	[tilespmem:s17], [sflag:$0x3] =	stream.linear.gather [hbm4b:s1+s3], $0xFA0, $0x38;
	[tilespmem:$0x1E780] =	vst v63  }
0x1c: {  	s1 =	sadd.s32 $0xC3500, s1  }
0x1d: {  	[tilespmem:s18], [sflag:$0x3] =	stream.linear.gather [hbm4b:s1+s3], $0xFA0, $0x38;
	[tilespmem:$0x1E780] =	vst v63  }
0x1e: {  	s0 =	sadd.s32 s5, s0  }
0x1f: {  	[tilespmem:s19], [sflag:$0x3] =	stream.linear.gather [hbm4b:s0+s3], $0xFA0, $0x38;
	[tilespmem:$0x1E780] =	vst v63  }
0x20: {  	_ =	swait.ge [sflag:s20], $0xFA0  }
0x21: {  	[sflag:s20] =	ssyncset.done $0x0  }
0x22: {  	[sflag:s20] =	ssyncadd.s32 $0xFFFFF060  }
0x23: {  	_ =	swait.ge [sflag:s20], $0xFA0  }
0x24: {  	[sflag:s20] =	ssyncset.done $0x0  }
0x25: {  	[sflag:s20] =	ssyncadd.s32 $0xFFFFF060  }
0x26: {  	_ =	swait.ge [sflag:s20], $0xFA0  }
0x27: {  	[sflag:s20] =	ssyncset.done $0x0  }
0x28: {  	s29 =	simm.s32 $0x18720;
	[sflag:s20] =	ssyncadd.s32 $0xFFFFF060  }
0x29: {  	s30 =	simm.s32 $0x19720;
	v1 =	vld [tilespmem:s29+$0x10]  }
0x2a: {  	v2 =	vld [tilespmem:s30+$0x10]  }
0x2b: {  	v3 =	vld [tilespmem:s29+$0x0]  }
0x2c: {  	v4 =	vld [tilespmem:s30+$0x0]  }
0x2d: {  	v5 =	vld [tilespmem:s29+$0xFFFFFFF0]  }
0x2e: {  	v6 =	vld [tilespmem:s30+$0xFFFFFFF0]  }
0x2f: {  	v7 =	vld [tilespmem:s29+$0xFFFFFFE0]  }
0x30: {  	s31 =	simm.s32 $0x18760;
	v8 =	vld [tilespmem:s30+$0xFFFFFFE0]  }
0x31: {  	v9 =	vld [tilespmem:s31+$0x10]  }
0x32: {  	v1 =	vld.idx.msk [tilespmem:v1+s3+$0x0], $0xffff  }
0x33: {  	v2 =	vld.idx.msk [tilespmem:v2+s3+$0x0], $0xffff  }
0x34: {  	v3 =	vld.idx.msk [tilespmem:v3+s3+$0x0], $0xffff  }
0x35: {  	v4 =	vld.idx.msk [tilespmem:v4+s3+$0x0], $0xffff  }
0x36: {  	v5 =	vld.idx.msk [tilespmem:v5+s3+$0x0], $0xffff  }
0x37: {  	v6 =	vld.idx.msk [tilespmem:v6+s3+$0x0], $0xffff  }
0x38: {  	v7 =	vld.idx.msk [tilespmem:v7+s3+$0x0], $0xffff  }
0x39: {  	v8 =	vld.idx.msk [tilespmem:v8+s3+$0x0], $0xffff  }
0x3a: {  	v10 =	vshll.u32 v1, $0x10  }
0x3b: {  	v1 =	vand.u32 $0xFFFF0000, v1;
	v11 =	vshll.u32 v2, $0x10;
	v2 =	vand.u32 $0xFFFF0000, v2  }
0x3c: {  	v12 =	vshll.u32 v3, $0x10;
	v13 =	vshll.u32 v4, $0x10;
	v14 =	vshll.u32 v5, $0x10  }
0x3d: {  	v5 =	vand.u32 $0xFFFF0000, v5;
	v15 =	vshll.u32 v6, $0x10;
	v16 =	vshll.u32 v7, $0x10  }
0x3e: {  	v7 =	vand.u32 $0xFFFF0000, v7;
	v17 =	vshll.u32 v8, $0x10;
	v10 =	vsub.f32 v10, v11  }
0x3f: {  	s1 =	simm.s32 $0x19760;
	v9 =	vld.idx.msk [tilespmem:v9+s3+$0x0], $0xffff;
	v2 =	vsub.f32 v1, v2;
	v1 =	vand.u32 $0xFFFF0000, v8;
	v8 =	vsub.f32 v16, v17  }
0x40: {  	v6 =	vand.u32 $0xFFFF0000, v6;
	v11 =	vsub.f32 v12, v13;
	v12 =	vld [tilespmem:s1+$0x10];
	v1 =	vsub.f32 v7, v1  }
0x41: {  	v3 =	vand.u32 $0xFFFF0000, v3;
	v4 =	vand.u32 $0xFFFF0000, v4;
	v5 =	vsub.f32 v5, v6  }
0x42: {  	v13 =	vld [tilespmem:s31+$0x0];
	v7 =	vsub.f32 v14, v15;
	v6 =	vmul.f32 v8, v8;
	v8 =	vmul.f32 v1, v1  }
0x43: {  	v19 =	vld [tilespmem:s1+$0xFFFFFFF0];
	v3 =	vsub.f32 v3, v4;
	v4 =	vmul.f32 v10, v10;
	v10 =	vmul.f32 v2, v2  }
0x44: {  	v14 =	vld [tilespmem:s1+$0x0];
	v5 =	vmul.f32 v5, v5;
	v7 =	vmul.f32 v7, v7;
	v8 =	vadd.f32 v8, v6  }
0x45: {  	v15 =	vld [tilespmem:s31+$0xFFFFFFF0];
	v2 =	vshll.u32 v9, $0x10;
	v11 =	vmul.f32 v11, v11;
	v3 =	vmul.f32 v3, v3  }
0x46: {  	s28 =	simm.s32 $0x1A720;
	v20 =	vld [tilespmem:s31+$0xFFFFFFE0];
	v7 =	vadd.f32 v5, v7;
	v16 =	vshra.s32 v8, $0x1;
	v17 =	vmul.f32 $5.004699830e-01, v8  }
0x47: {  	v1 =	vld [tilespmem:s28+$0x10];
	v4 =	vadd.f32 v10, v4;
	v5 =	vadd.f32 v3, v11;
	v16 =	vsub.s32 $0x5F3759DF, v16  }
0x48: {  	v10 =	vshra.s32 v7, $0x1;
	v11 =	vld.idx.msk [tilespmem:v12+s3+$0x0], $0xffff;
	v12 =	vmul.f32 $5.004699830e-01, v7;
	v3 =	vmul.f32 v16, v17  }
0x49: {  	v6 =	vld [tilespmem:s28+$0xFFFFFFE0];
	v22 =	vsub.s32 $0x5F3759DF, v10;
	v10 =	vshra.s32 v5, $0x1;
	v17 =	vmul.f32 $5.004699830e-01, v5  }
0x4a: {  	v23 =	vld.idx.msk [tilespmem:v13+s3+$0x0], $0xffff;
	v24 =	vsub.s32 $0x5F3759DF, v10;
	v12 =	vmul.f32 v22, v12;
	v18 =	vmul.f32 v16, v3  }
0x4b: {  	v21 =	vmul.f32 $5.004699830e-01, v4;
	v13 =	vld [tilespmem:s1+$0xFFFFFFE0];
	v10 =	vmul.f32 v24, v17;
	v17 =	vshra.s32 v4, $0x1  }
0x4c: {  	v3 =	vld.idx.msk [tilespmem:v14+s3+$0x0], $0xffff;
	v12 =	vmul.f32 v22, v12;
	v14 =	vsub.s32 $0x5F3759DF, v17;
	v18 =	vsub.f32 $1.501410010e+00, v18  }
0x4d: {  	v9 =	vand.u32 $0xFFFF0000, v9;
	v15 =	vld.idx.msk [tilespmem:v15+s3+$0x0], $0xffff;
	v25 =	vmul.f32 v24, v10;
	v21 =	vmul.f32 v14, v21  }
0x4e: {  	v17 =	vld.idx.msk [tilespmem:v19+s3+$0x0], $0xffff;
	v10 =	vshll.u32 v11, $0x10;
	v26 =	vsub.f32 $1.501410010e+00, v12;
	v16 =	vmul.f32 v16, v18  }
0x4f: {  	v12 =	vand.u32 $0xFFFF0000, v11;
	v18 =	vld [tilespmem:s28+$0xFFFFFFF0];
	v25 =	vsub.f32 $1.501410010e+00, v25;
	v27 =	vmul.f32 v14, v21  }
0x50: {  	v19 =	vld.idx.msk [tilespmem:v20+s3+$0x0], $0xffff;
	v11 =	vshll.u32 v23, $0x10;
	v22 =	vmul.f32 v22, v26;
	v21 =	vmul.f32 v16, v8  }
0x51: {  	s13 =	simm.s32 $0x40;
	s14 =	simm.s32 $0x187A0;
	v16 =	vld [tilespmem:s28+$0x0];
	v8 =	vand.u32 $0xFFFF0000, v23;
	v20 =	vmul.f32 v24, v25;
	v23 =	vsub.f32 $1.501410010e+00, v27  }
.LBB2_4:
0x52: {  	v24 =	vld [tilespmem:s14+$0x10];
	v25 =	vshll.u32 v3, $0x10;
	v6 =	vmul.f32 v21, v6;
	v7 =	vmul.f32 v22, v7  }
0x53: {  	v21 =	vshll.u32 v15, $0x10;
	v15 =	vand.u32 $0xFFFF0000, v15;
	v13 =	vld.idx.msk [tilespmem:v13+s3+$0x0], $0xffff;
	v14 =	vmul.f32 v14, v23  }
0x54: {  	v5 =	vmul.f32 v20, v5;
	v6 =	vadd.f32 $-1.000000000e+00, v6;
	v7 =	vmul.f32 v7, v18  }
0x55: {  	v18 =	vshll.u32 v17, $0x10;
	v17 =	vand.u32 $0xFFFF0000, v17;
	v4 =	vmul.f32 v14, v4  }
0x56: {  	v5 =	vmul.f32 v5, v16;
	v6 =	vmul.f32 v6, v6;
	v7 =	vadd.f32 $-1.000000000e+00, v7  }
0x57: {  	v14 =	vshll.u32 v19, $0x10;
	v16 =	vand.u32 $0xFFFF0000, v19;
	v1 =	vmul.f32 v4, v1  }
0x58: {  	v5 =	vadd.f32 $-1.000000000e+00, v5;
	v0 =	vadd.f32 v6, v0;
	v4 =	vmul.f32 v7, v7  }
0x59: {  	v2 =	vsub.f32 v2, v10;
	v6 =	vshll.u32 v13, $0x10;
	v7 =	vsub.f32 v9, v12  }
0x5a: {  	v1 =	vadd.f32 $-1.000000000e+00, v1;
	v0 =	vadd.f32 v4, v0;
	v4 =	vmul.f32 v5, v5  }
0x5b: {  	s1 =	sadd.s32 $0x40, s1;
	v10 =	vsub.f32 v11, v25;
	v6 =	vsub.f32 v14, v6;
	v5 =	vand.u32 $0xFFFF0000, v13;
	v9 =	vld.idx.msk [tilespmem:v24+s3+$0x0], $0xffff  }
0x5c: {  	v5 =	vsub.f32 v16, v5;
	v1 =	vmul.f32 v1, v1;
	v11 =	vld [tilespmem:s1+$0x10];
	v0 =	vadd.f32 v4, v0  }
0x5d: {  	v3 =	vand.u32 $0xFFFF0000, v3;
	s29 =	simm.s32 $0x1A680;
	s30 =	simm.s32 $0x19680;
	v12 =	vsub.f32 v15, v17;
	v4 =	vsub.f32 v21, v18  }
0x5e: {  	s28 =	sadd.s32 $0x40, s28;
	s31 =	simm.s32 $0xF70;
	s0 =	simm.s32 $0x1B680;
	v6 =	vmul.f32 v6, v6;
	v5 =	vmul.f32 v5, v5;
	v13 =	vld [tilespmem:s14+$0x0];
	v0 =	vadd.f32 v1, v0  }
0x5f: {  	v3 =	vsub.f32 v8, v3;
	v8 =	vmul.f32 v2, v2;
	v14 =	vmul.f32 v7, v7;
	v1 =	vld [tilespmem:s28+$0x10]  }
0x60: {  	v4 =	vmul.f32 v4, v4;
	v16 =	vadd.f32 v5, v6;
	v5 =	vmul.f32 v12, v12;
	v15 =	vld [tilespmem:s1+$0x0]  }
0x61: {  	v10 =	vmul.f32 v10, v10;
	v3 =	vmul.f32 v3, v3;
	v2 =	vshll.u32 v9, $0x10;
	v12 =	vld [tilespmem:s14+$0xFFFFFFF0]  }
0x62: {  	v17 =	vshra.s32 v16, $0x1;
	v18 =	vmul.f32 $5.004699830e-01, v16;
	v7 =	vadd.f32 v5, v4;
	v6 =	vld [tilespmem:s28+$0xFFFFFFE0]  }
0x63: {  	v5 =	vadd.f32 v3, v10;
	v4 =	vadd.f32 v14, v8;
	v17 =	vsub.s32 $0x5F3759DF, v17;
	v19 =	vld [tilespmem:s1+$0xFFFFFFF0]  }
0x64: {  	v3 =	vmul.f32 v17, v18;
	v10 =	vshra.s32 v7, $0x1;
	v8 =	vld.idx.msk [tilespmem:v11+s3+$0x0], $0xffff;
	v11 =	vmul.f32 $5.004699830e-01, v7  }
0x65: {  	v14 =	vmul.f32 $5.004699830e-01, v5;
	v22 =	vsub.s32 $0x5F3759DF, v10;
	v10 =	vshra.s32 v5, $0x1;
	v20 =	vld [tilespmem:s14+$0xFFFFFFE0]  }
0x66: {  	v18 =	vmul.f32 v17, v3;
	v24 =	vsub.s32 $0x5F3759DF, v10;
	v23 =	vld.idx.msk [tilespmem:v13+s3+$0x0], $0xffff;
	v11 =	vmul.f32 v22, v11  }
0x67: {  	s13 =	sadd.s32 $0x40, s13;
	v21 =	vmul.f32 $5.004699830e-01, v4;
	v10 =	vmul.f32 v24, v14;
	v14 =	vshra.s32 v4, $0x1;
	v13 =	vld [tilespmem:s1+$0xFFFFFFE0]  }
0x68: {  	p0 =	slt.u32 s13, $0xF40;
	v18 =	vsub.f32 $1.501410010e+00, v18;
	v14 =	vsub.s32 $0x5F3759DF, v14;
	v3 =	vld.idx.msk [tilespmem:v15+s3+$0x0], $0xffff;
	v11 =	vmul.f32 v22, v11  }
.Ltmp0:
0x69: {  	v9 =	vand.u32 $0xFFFF0000, v9;
	v25 =	vmul.f32 v24, v10;
	v21 =	vmul.f32 v14, v21;
	v15 =	vld.idx.msk [tilespmem:v12+s3+$0x0], $0xffff;
	(pc) =	sbr.rel @p0 .LBB2_4-.Ltmp0, $4  }
0x6a: {  	v10 =	vshll.u32 v8, $0x10;
	v26 =	vmul.f32 v17, v18;
	v18 =	vld [tilespmem:s28+$0xFFFFFFF0];
	v27 =	vsub.f32 $1.501410010e+00, v11  }
0x6b: {  	v12 =	vand.u32 $0xFFFF0000, v8;
	v25 =	vsub.f32 $1.501410010e+00, v25;
	v28 =	vmul.f32 v14, v21;
	v17 =	vld.idx.msk [tilespmem:v19+s3+$0x0], $0xffff  }
0x6c: {  	v11 =	vshll.u32 v23, $0x10;
	v21 =	vmul.f32 v26, v16;
	v22 =	vmul.f32 v22, v27;
	v16 =	vld [tilespmem:s28+$0x0]  }
0x6d: {  	s14 =	sadd.s32 $0x40, s14;
	v8 =	vand.u32 $0xFFFF0000, v23;
	v23 =	vsub.f32 $1.501410010e+00, v28;
	v19 =	vld.idx.msk [tilespmem:v20+s3+$0x0], $0xffff;
	v20 =	vmul.f32 v24, v25  }
0x6e: {  	_ =	sdelay $0x1  }
0x6f: {  	v24 =	vshll.u32 v3, $0x10;
	v6 =	vmul.f32 v21, v6  }
0x70: {  	v7 =	vmul.f32 v22, v7;
	v31 =	vshll.u32 v15, $0x10;
	v32 =	vand.u32 $0xFFFF0000, v15  }
0x71: {  	v13 =	vld.idx.msk [tilespmem:v13+s3+$0x0], $0xffff;
	v2 =	vsub.f32 v2, v10;
	v9 =	vsub.f32 v9, v12;
	v3 =	vand.u32 $0xFFFF0000, v3  }
0x72: {  	v14 =	vmul.f32 v14, v23;
	v5 =	vmul.f32 v20, v5;
	v11 =	vsub.f32 v11, v24  }
0x73: {  	v3 =	vsub.f32 v8, v3;
	v7 =	vmul.f32 v7, v18;
	v33 =	vshll.u32 v17, $0x10  }
0x74: {  	v34 =	vand.u32 $0xFFFF0000, v17;
	v2 =	vmul.f32 v2, v2;
	v42 =	vmul.f32 v9, v9  }
0x75: {  	v4 =	vmul.f32 v14, v4;
	v40 =	vsub.f32 v31, v33;
	v35 =	vshll.u32 v19, $0x10  }
0x76: {  	v36 =	vand.u32 $0xFFFF0000, v19;
	v37 =	vshll.u32 v13, $0x10;
	v38 =	vand.u32 $0xFFFF0000, v13  }
0x77: {  	v45 =	vmul.f32 v11, v11;
	v39 =	vsub.f32 v35, v37;
	v10 =	vsub.f32 v36, v38  }
0x78: {  	v41 =	vsub.f32 v32, v34;
	v3 =	vmul.f32 v3, v3;
	v1 =	vmul.f32 v4, v1  }
0x79: {  	v6 =	vadd.f32 $-1.000000000e+00, v6;
	v12 =	vmul.f32 v39, v39;
	v10 =	vmul.f32 v10, v10  }
0x7a: {  	v7 =	vadd.f32 $-1.000000000e+00, v7;
	v4 =	vmul.f32 v40, v40;
	v44 =	vmul.f32 v41, v41  }
0x7b: {  	v5 =	vmul.f32 v5, v16;
	v2 =	vadd.f32 v42, v2;
	v43 =	vadd.f32 v10, v12  }
0x7c: {  	v6 =	vmul.f32 v6, v6;
	v3 =	vadd.f32 v3, v45;
	v4 =	vadd.f32 v44, v4  }
0x7d: {  	v5 =	vadd.f32 $-1.000000000e+00, v5;
	v46 =	vshra.s32 v43, $0x1;
	v12 =	vmul.f32 $5.004699830e-01, v43  }
0x7e: {  	v49 =	vshra.s32 v4, $0x1;
	v50 =	vmul.f32 $5.004699830e-01, v4;
	v47 =	vsub.s32 $0x5F3759DF, v46  }
0x7f: {  	v0 =	vadd.f32 v6, v0;
	v8 =	vsub.s32 $0x5F3759DF, v49;
	v48 =	vmul.f32 v47, v12  }
0x80: {  	v53 =	vshra.s32 v2, $0x1;
	v54 =	vmul.f32 $5.004699830e-01, v2;
	v11 =	vmul.f32 v8, v50  }
0x81: {  	v51 =	vshra.s32 v3, $0x1;
	v52 =	vmul.f32 $5.004699830e-01, v3;
	v6 =	vmul.f32 v47, v48  }
0x82: {  	v7 =	vmul.f32 v7, v7;
	v11 =	vmul.f32 v8, v11;
	v12 =	vsub.s32 $0x5F3759DF, v51  }
0x83: {  	s1 =	sadd.s32 $0x40, s28;
	v14 =	vsub.s32 $0x5F3759DF, v53;
	v13 =	vmul.f32 v12, v52;
	v6 =	vsub.f32 $1.501410010e+00, v6  }
0x84: {  	v55 =	vld [tilespmem:s1+$0xFFFFFFE0];
	v5 =	vmul.f32 v5, v5;
	v15 =	vmul.f32 v14, v54;
	v56 =	vsub.f32 $1.501410010e+00, v11  }
0x85: {  	v13 =	vmul.f32 v12, v13;
	v6 =	vmul.f32 v47, v6  }
0x86: {  	v57 =	vld [tilespmem:s1+$0xFFFFFFF0];
	v15 =	vmul.f32 v14, v15;
	v58 =	vmul.f32 v8, v56  }
0x87: {  	v1 =	vadd.f32 $-1.000000000e+00, v1;
	v13 =	vsub.f32 $1.501410010e+00, v13;
	v6 =	vmul.f32 v6, v43  }
0x88: {  	v59 =	vld [tilespmem:s1+$0x0];
	v0 =	vadd.f32 v7, v0;
	v61 =	vsub.f32 $1.501410010e+00, v15;
	v4 =	vmul.f32 v58, v4  }
0x89: {  	v62 =	vld [tilespmem:s1+$0x10];
	v60 =	vmul.f32 v12, v13;
	v6 =	vmul.f32 v6, v55  }
0x8a: {  	v1 =	vmul.f32 v1, v1;
	v0 =	vadd.f32 v5, v0;
	v63 =	vmul.f32 v14, v61  }
0x8b: {  	v4 =	vmul.f32 v4, v57;
	v3 =	vmul.f32 v60, v3;
	v6 =	vadd.f32 $-1.000000000e+00, v6  }
0x8c: {  	v0 =	vadd.f32 v1, v0;
	v1 =	vmul.f32 v63, v2  }
0x8d: {  	v4 =	vadd.f32 $-1.000000000e+00, v4;
	v3 =	vmul.f32 v3, v59;
	v2 =	vmul.f32 v6, v6  }
0x8e: {  	v1 =	vmul.f32 v1, v62  }
0x8f: {  	v3 =	vadd.f32 $-1.000000000e+00, v3;
	v0 =	vadd.f32 v2, v0;
	v2 =	vmul.f32 v4, v4;
	_ =	sdelay $0x1  }
0x90: {  	v1 =	vadd.f32 $-1.000000000e+00, v1;
	v0 =	vadd.f32 v2, v0;
	v2 =	vmul.f32 v3, v3;
	_ =	sdelay $0x1  }
0x91: {  	v1 =	vmul.f32 v1, v1;
	v0 =	vadd.f32 v2, v0;
	_ =	sdelay $0x1  }
0x92: {  	v0 =	vadd.f32 v1, v0  }
.LBB2_6:
0x93: {  	v1 =	vld [tilespmem:s30+$0x0]  }
0x94: {  	v2 =	vld [tilespmem:s29+$0x0];
	_ =	sdelay $0x6  }
0x95: {  	v1 =	vld.idx.msk [tilespmem:v1+s3+$0x0], $0xffff  }
0x96: {  	v2 =	vld.idx.msk [tilespmem:v2+s3+$0x0], $0xffff;
	_ =	sdelay $0x3  }
0x97: {  	v3 =	vshll.u32 v1, $0x10  }
0x98: {  	v1 =	vand.u32 $0xFFFF0000, v1;
	v4 =	vshll.u32 v2, $0x10;
	v2 =	vand.u32 $0xFFFF0000, v2  }
0x99: {  	v3 =	vsub.f32 v3, v4;
	v1 =	vsub.f32 v1, v2;
	_ =	sdelay $0x1  }
0x9a: {  	v2 =	vmul.f32 v3, v3;
	v1 =	vmul.f32 v1, v1;
	_ =	sdelay $0x1  }
0x9b: {  	v1 =	vadd.f32 v1, v2;
	_ =	sdelay $0x1  }
0x9c: {  	v2 =	vshra.s32 v1, $0x1;
	v3 =	vmul.f32 $-5.004699830e-01, v1  }
0x9d: {  	v2 =	vsub.s32 $0x5F3759DF, v2  }
0x9e: {  	v3 =	vmul.f32 v2, v3;
	_ =	sdelay $0x1  }
0x9f: {  	v3 =	vmul.f32 v2, v3;
	_ =	sdelay $0x1  }
0xa0: {  	v3 =	vadd.f32 $1.501410010e+00, v3  }
0xa1: {  	v63 =	vld [tilespmem:s0+$0x0]  }
0xa2: {  	v2 =	vmul.f32 v2, v3;
	_ =	sdelay $0x1  }
0xa3: {  	v1 =	vmul.f32 v2, v1;
	_ =	sdelay $0x1  }
0xa4: {  	s31 =	sadd.s32 $0x10, s31;
	v1 =	vmul.f32 v1, v63  }
0xa5: {  	p0 =	slt.u32 s31, $0xF90  }
.Ltmp1:
0xa6: {  	v1 =	vadd.f32 $-1.000000000e+00, v1;
	(pc) =	sbr.rel @p0 .LBB2_6-.Ltmp1, $3  }
0xa7: {  	_ = 	snop  }
0xa8: {  	v1 =	vmul.f32 v1, v1;
	_ =	sdelay $0x1  }
0xa9: {  	s0 =	sadd.s32 $0x10, s0;
	s29 =	sadd.s32 $0x10, s29;
	s30 =	sadd.s32 $0x10, s30;
	v0 =	vadd.f32 v1, v0  }
0xaa: {  	p0 =	seq.s32 s25, $0x18  }
0xab: {  	s0 =	sadd.s32 @!p0 s26, s10  }
0xac: {  	s0 =	sshrl.u32 @!p0 s0, $0x3  }
0xad: {  	s13 =	simm.s32 @!p0 $0x0;
	s14 =	simm.s32 @!p0 $0x18700;
	s1 =	sadd.s32 @!p0 s2, s0  }
0xae: {  	[tilespmem:s14], [sflag:$0x2] =	stream.linear.gather @!p0 [hbm4b:s1+s13], $0xFA0, $0x38;
	[tilespmem:$0x1E780] =	vst v63  }
0xaf: {  	s1 =	sadd.s32 @!p0 $0xC3500, s1;
	s14 =	simm.s32 @!p0 $0x19700  }
0xb0: {  	[tilespmem:s14], [sflag:$0x2] =	stream.linear.gather @!p0 [hbm4b:s1+s13], $0xFA0, $0x38;
	[tilespmem:$0x1E780] =	vst v63  }
0xb1: {  	s0 =	sadd.s32 @!p0 s5, s0;
	s1 =	simm.s32 @!p0 $0x1A700  }
0xb2: {  	[tilespmem:s1], [sflag:$0x2] =	stream.linear.gather @!p0 [hbm4b:s0+s13], $0xFA0, $0x38;
	[tilespmem:$0x1E780] =	vst v63  }
0xb3: {  	_ =	swait.ge [sflag:s21], $0xFA0  }
0xb4: {  	[sflag:s21] =	ssyncset.done $0x0  }
0xb5: {  	[sflag:s21] =	ssyncadd.s32 $0xFFFFF060  }
0xb6: {  	_ =	swait.ge [sflag:s21], $0xFA0  }
0xb7: {  	[sflag:s21] =	ssyncset.done $0x0  }
0xb8: {  	[sflag:s21] =	ssyncadd.s32 $0xFFFFF060  }
0xb9: {  	_ =	swait.ge [sflag:s21], $0xFA0  }
0xba: {  	[sflag:s21] =	ssyncset.done $0x0  }
0xbb: {  	s29 =	simm.s32 $0x1B720;
	[sflag:s21] =	ssyncadd.s32 $0xFFFFF060  }
0xbc: {  	s30 =	simm.s32 $0x1C720;
	v1 =	vld [tilespmem:s29+$0x10]  }
0xbd: {  	v2 =	vld [tilespmem:s30+$0x10]  }
0xbe: {  	v3 =	vld [tilespmem:s29+$0x0]  }
0xbf: {  	v4 =	vld [tilespmem:s30+$0x0]  }
0xc0: {  	v5 =	vld [tilespmem:s29+$0xFFFFFFF0]  }
0xc1: {  	v6 =	vld [tilespmem:s30+$0xFFFFFFF0]  }
0xc2: {  	v7 =	vld [tilespmem:s29+$0xFFFFFFE0]  }
0xc3: {  	s31 =	simm.s32 $0x1B760;
	v8 =	vld [tilespmem:s30+$0xFFFFFFE0]  }
0xc4: {  	v9 =	vld [tilespmem:s31+$0x10]  }
0xc5: {  	v1 =	vld.idx.msk [tilespmem:v1+s3+$0x0], $0xffff  }
0xc6: {  	v2 =	vld.idx.msk [tilespmem:v2+s3+$0x0], $0xffff  }
0xc7: {  	v3 =	vld.idx.msk [tilespmem:v3+s3+$0x0], $0xffff  }
0xc8: {  	v4 =	vld.idx.msk [tilespmem:v4+s3+$0x0], $0xffff  }
0xc9: {  	v5 =	vld.idx.msk [tilespmem:v5+s3+$0x0], $0xffff  }
0xca: {  	v6 =	vld.idx.msk [tilespmem:v6+s3+$0x0], $0xffff  }
0xcb: {  	v7 =	vld.idx.msk [tilespmem:v7+s3+$0x0], $0xffff  }
0xcc: {  	v8 =	vld.idx.msk [tilespmem:v8+s3+$0x0], $0xffff  }
0xcd: {  	v10 =	vshll.u32 v1, $0x10  }
0xce: {  	v1 =	vand.u32 $0xFFFF0000, v1;
	v11 =	vshll.u32 v2, $0x10;
	v2 =	vand.u32 $0xFFFF0000, v2  }
0xcf: {  	v12 =	vshll.u32 v3, $0x10;
	v13 =	vshll.u32 v4, $0x10;
	v14 =	vshll.u32 v5, $0x10  }
0xd0: {  	v5 =	vand.u32 $0xFFFF0000, v5;
	v15 =	vshll.u32 v6, $0x10;
	v16 =	vshll.u32 v7, $0x10  }
0xd1: {  	v7 =	vand.u32 $0xFFFF0000, v7;
	v17 =	vshll.u32 v8, $0x10;
	v10 =	vsub.f32 v10, v11  }
0xd2: {  	s0 =	simm.s32 $0x1C760;
	v9 =	vld.idx.msk [tilespmem:v9+s3+$0x0], $0xffff;
	v2 =	vsub.f32 v1, v2;
	v1 =	vand.u32 $0xFFFF0000, v8;
	v8 =	vsub.f32 v16, v17  }
0xd3: {  	v6 =	vand.u32 $0xFFFF0000, v6;
	v11 =	vsub.f32 v12, v13;
	v12 =	vld [tilespmem:s0+$0x10];
	v1 =	vsub.f32 v7, v1  }
0xd4: {  	v3 =	vand.u32 $0xFFFF0000, v3;
	v4 =	vand.u32 $0xFFFF0000, v4;
	v5 =	vsub.f32 v5, v6  }
0xd5: {  	v13 =	vld [tilespmem:s31+$0x0];
	v7 =	vsub.f32 v14, v15;
	v6 =	vmul.f32 v8, v8;
	v8 =	vmul.f32 v1, v1  }
0xd6: {  	v19 =	vld [tilespmem:s0+$0xFFFFFFF0];
	v3 =	vsub.f32 v3, v4;
	v4 =	vmul.f32 v10, v10;
	v10 =	vmul.f32 v2, v2  }
0xd7: {  	v14 =	vld [tilespmem:s0+$0x0];
	v5 =	vmul.f32 v5, v5;
	v7 =	vmul.f32 v7, v7;
	v8 =	vadd.f32 v8, v6  }
0xd8: {  	v15 =	vld [tilespmem:s31+$0xFFFFFFF0];
	v2 =	vshll.u32 v9, $0x10;
	v11 =	vmul.f32 v11, v11;
	v3 =	vmul.f32 v3, v3  }
0xd9: {  	s26 =	simm.s32 $0x1D720;
	v20 =	vld [tilespmem:s31+$0xFFFFFFE0];
	v7 =	vadd.f32 v5, v7;
	v16 =	vshra.s32 v8, $0x1;
	v17 =	vmul.f32 $5.004699830e-01, v8  }
0xda: {  	v1 =	vld [tilespmem:s26+$0x10];
	v4 =	vadd.f32 v10, v4;
	v5 =	vadd.f32 v3, v11;
	v16 =	vsub.s32 $0x5F3759DF, v16  }
0xdb: {  	v10 =	vshra.s32 v7, $0x1;
	v11 =	vld.idx.msk [tilespmem:v12+s3+$0x0], $0xffff;
	v12 =	vmul.f32 $5.004699830e-01, v7;
	v3 =	vmul.f32 v16, v17  }
0xdc: {  	v6 =	vld [tilespmem:s26+$0xFFFFFFE0];
	v22 =	vsub.s32 $0x5F3759DF, v10;
	v10 =	vshra.s32 v5, $0x1;
	v17 =	vmul.f32 $5.004699830e-01, v5  }
0xdd: {  	v23 =	vld.idx.msk [tilespmem:v13+s3+$0x0], $0xffff;
	v24 =	vsub.s32 $0x5F3759DF, v10;
	v12 =	vmul.f32 v22, v12;
	v18 =	vmul.f32 v16, v3  }
0xde: {  	v21 =	vmul.f32 $5.004699830e-01, v4;
	v13 =	vld [tilespmem:s0+$0xFFFFFFE0];
	v10 =	vmul.f32 v24, v17;
	v17 =	vshra.s32 v4, $0x1  }
0xdf: {  	v3 =	vld.idx.msk [tilespmem:v14+s3+$0x0], $0xffff;
	v12 =	vmul.f32 v22, v12;
	v14 =	vsub.s32 $0x5F3759DF, v17;
	v18 =	vsub.f32 $1.501410010e+00, v18  }
0xe0: {  	v9 =	vand.u32 $0xFFFF0000, v9;
	v15 =	vld.idx.msk [tilespmem:v15+s3+$0x0], $0xffff;
	v25 =	vmul.f32 v24, v10;
	v21 =	vmul.f32 v14, v21  }
0xe1: {  	v17 =	vld.idx.msk [tilespmem:v19+s3+$0x0], $0xffff;
	v10 =	vshll.u32 v11, $0x10;
	v26 =	vsub.f32 $1.501410010e+00, v12;
	v16 =	vmul.f32 v16, v18  }
0xe2: {  	v12 =	vand.u32 $0xFFFF0000, v11;
	v18 =	vld [tilespmem:s26+$0xFFFFFFF0];
	v25 =	vsub.f32 $1.501410010e+00, v25;
	v27 =	vmul.f32 v14, v21  }
0xe3: {  	v19 =	vld.idx.msk [tilespmem:v20+s3+$0x0], $0xffff;
	v11 =	vshll.u32 v23, $0x10;
	v22 =	vmul.f32 v22, v26;
	v21 =	vmul.f32 v16, v8  }
0xe4: {  	s25 =	sadd.s32 $0x1, s25;
	s1 =	simm.s32 $0x40;
	s13 =	simm.s32 $0x1B7A0;
	v16 =	vld [tilespmem:s26+$0x0];
	v8 =	vand.u32 $0xFFFF0000, v23;
	v20 =	vmul.f32 v24, v25;
	v23 =	vsub.f32 $1.501410010e+00, v27  }
.LBB2_8:
0xe5: {  	v24 =	vld [tilespmem:s13+$0x10];
	v25 =	vshll.u32 v3, $0x10;
	v6 =	vmul.f32 v21, v6;
	v7 =	vmul.f32 v22, v7  }
0xe6: {  	v21 =	vshll.u32 v15, $0x10;
	v15 =	vand.u32 $0xFFFF0000, v15;
	v13 =	vld.idx.msk [tilespmem:v13+s3+$0x0], $0xffff;
	v14 =	vmul.f32 v14, v23  }
0xe7: {  	v5 =	vmul.f32 v20, v5;
	v6 =	vadd.f32 $-1.000000000e+00, v6;
	v7 =	vmul.f32 v7, v18  }
0xe8: {  	v18 =	vshll.u32 v17, $0x10;
	v17 =	vand.u32 $0xFFFF0000, v17;
	v4 =	vmul.f32 v14, v4  }
0xe9: {  	v5 =	vmul.f32 v5, v16;
	v6 =	vmul.f32 v6, v6;
	v7 =	vadd.f32 $-1.000000000e+00, v7  }
0xea: {  	v14 =	vshll.u32 v19, $0x10;
	v16 =	vand.u32 $0xFFFF0000, v19;
	v1 =	vmul.f32 v4, v1  }
0xeb: {  	v5 =	vadd.f32 $-1.000000000e+00, v5;
	v0 =	vadd.f32 v6, v0;
	v4 =	vmul.f32 v7, v7  }
0xec: {  	v2 =	vsub.f32 v2, v10;
	v6 =	vshll.u32 v13, $0x10;
	v7 =	vsub.f32 v9, v12  }
0xed: {  	v1 =	vadd.f32 $-1.000000000e+00, v1;
	v0 =	vadd.f32 v4, v0;
	v4 =	vmul.f32 v5, v5  }
0xee: {  	s0 =	sadd.s32 $0x40, s0;
	v10 =	vsub.f32 v11, v25;
	v6 =	vsub.f32 v14, v6;
	v5 =	vand.u32 $0xFFFF0000, v13;
	v9 =	vld.idx.msk [tilespmem:v24+s3+$0x0], $0xffff  }
0xef: {  	v5 =	vsub.f32 v16, v5;
	v1 =	vmul.f32 v1, v1;
	v11 =	vld [tilespmem:s0+$0x10];
	v0 =	vadd.f32 v4, v0  }
0xf0: {  	v3 =	vand.u32 $0xFFFF0000, v3;
	s28 =	simm.s32 $0x1D680;
	s29 =	simm.s32 $0x1C680;
	v12 =	vsub.f32 v15, v17;
	v4 =	vsub.f32 v21, v18  }
0xf1: {  	s26 =	sadd.s32 $0x40, s26;
	s30 =	simm.s32 $0x1E680;
	v6 =	vmul.f32 v6, v6;
	v5 =	vmul.f32 v5, v5;
	v13 =	vld [tilespmem:s13+$0x0];
	v0 =	vadd.f32 v1, v0  }
0xf2: {  	v3 =	vsub.f32 v8, v3;
	v8 =	vmul.f32 v2, v2;
	v14 =	vmul.f32 v7, v7;
	v1 =	vld [tilespmem:s26+$0x10]  }
0xf3: {  	v4 =	vmul.f32 v4, v4;
	v16 =	vadd.f32 v5, v6;
	v5 =	vmul.f32 v12, v12;
	v15 =	vld [tilespmem:s0+$0x0]  }
0xf4: {  	v10 =	vmul.f32 v10, v10;
	v3 =	vmul.f32 v3, v3;
	v2 =	vshll.u32 v9, $0x10;
	v12 =	vld [tilespmem:s13+$0xFFFFFFF0]  }
0xf5: {  	v17 =	vshra.s32 v16, $0x1;
	v18 =	vmul.f32 $5.004699830e-01, v16;
	v7 =	vadd.f32 v5, v4;
	v6 =	vld [tilespmem:s26+$0xFFFFFFE0]  }
0xf6: {  	v5 =	vadd.f32 v3, v10;
	v4 =	vadd.f32 v14, v8;
	v17 =	vsub.s32 $0x5F3759DF, v17;
	v19 =	vld [tilespmem:s0+$0xFFFFFFF0]  }
0xf7: {  	v3 =	vmul.f32 v17, v18;
	v10 =	vshra.s32 v7, $0x1;
	v8 =	vld.idx.msk [tilespmem:v11+s3+$0x0], $0xffff;
	v11 =	vmul.f32 $5.004699830e-01, v7  }
0xf8: {  	v14 =	vmul.f32 $5.004699830e-01, v5;
	v22 =	vsub.s32 $0x5F3759DF, v10;
	v10 =	vshra.s32 v5, $0x1;
	v20 =	vld [tilespmem:s13+$0xFFFFFFE0]  }
0xf9: {  	v18 =	vmul.f32 v17, v3;
	v24 =	vsub.s32 $0x5F3759DF, v10;
	v23 =	vld.idx.msk [tilespmem:v13+s3+$0x0], $0xffff;
	v11 =	vmul.f32 v22, v11  }
0xfa: {  	s1 =	sadd.s32 $0x40, s1;
	v21 =	vmul.f32 $5.004699830e-01, v4;
	v10 =	vmul.f32 v24, v14;
	v14 =	vshra.s32 v4, $0x1;
	v13 =	vld [tilespmem:s0+$0xFFFFFFE0]  }
0xfb: {  	p0 =	slt.u32 s1, $0xF40;
	v18 =	vsub.f32 $1.501410010e+00, v18;
	v14 =	vsub.s32 $0x5F3759DF, v14;
	v3 =	vld.idx.msk [tilespmem:v15+s3+$0x0], $0xffff;
	v11 =	vmul.f32 v22, v11  }
.Ltmp2:
0xfc: {  	v9 =	vand.u32 $0xFFFF0000, v9;
	v25 =	vmul.f32 v24, v10;
	v21 =	vmul.f32 v14, v21;
	v15 =	vld.idx.msk [tilespmem:v12+s3+$0x0], $0xffff;
	(pc) =	sbr.rel @p0 .LBB2_8-.Ltmp2, $4  }
0xfd: {  	v10 =	vshll.u32 v8, $0x10;
	v26 =	vmul.f32 v17, v18;
	v18 =	vld [tilespmem:s26+$0xFFFFFFF0];
	v27 =	vsub.f32 $1.501410010e+00, v11  }
0xfe: {  	v12 =	vand.u32 $0xFFFF0000, v8;
	v25 =	vsub.f32 $1.501410010e+00, v25;
	v28 =	vmul.f32 v14, v21;
	v17 =	vld.idx.msk [tilespmem:v19+s3+$0x0], $0xffff  }
0xff: {  	v11 =	vshll.u32 v23, $0x10;
	v21 =	vmul.f32 v26, v16;
	v22 =	vmul.f32 v22, v27;
	v16 =	vld [tilespmem:s26+$0x0]  }
0x100: {  	s13 =	sadd.s32 $0x40, s13;
	v8 =	vand.u32 $0xFFFF0000, v23;
	v23 =	vsub.f32 $1.501410010e+00, v28;
	v19 =	vld.idx.msk [tilespmem:v20+s3+$0x0], $0xffff;
	v20 =	vmul.f32 v24, v25  }
0x101: {  	_ =	sdelay $0x1  }
0x102: {  	v24 =	vshll.u32 v3, $0x10;
	v6 =	vmul.f32 v21, v6  }
0x103: {  	v7 =	vmul.f32 v22, v7;
	v31 =	vshll.u32 v15, $0x10;
	v32 =	vand.u32 $0xFFFF0000, v15  }
0x104: {  	v13 =	vld.idx.msk [tilespmem:v13+s3+$0x0], $0xffff;
	v2 =	vsub.f32 v2, v10;
	v9 =	vsub.f32 v9, v12;
	v3 =	vand.u32 $0xFFFF0000, v3  }
0x105: {  	v14 =	vmul.f32 v14, v23;
	v5 =	vmul.f32 v20, v5;
	v11 =	vsub.f32 v11, v24  }
0x106: {  	v3 =	vsub.f32 v8, v3;
	v7 =	vmul.f32 v7, v18;
	v33 =	vshll.u32 v17, $0x10  }
0x107: {  	v34 =	vand.u32 $0xFFFF0000, v17;
	v2 =	vmul.f32 v2, v2;
	v42 =	vmul.f32 v9, v9  }
0x108: {  	v4 =	vmul.f32 v14, v4;
	v40 =	vsub.f32 v31, v33;
	v35 =	vshll.u32 v19, $0x10  }
0x109: {  	v36 =	vand.u32 $0xFFFF0000, v19;
	v37 =	vshll.u32 v13, $0x10;
	v38 =	vand.u32 $0xFFFF0000, v13  }
0x10a: {  	v45 =	vmul.f32 v11, v11;
	v39 =	vsub.f32 v35, v37;
	v10 =	vsub.f32 v36, v38  }
0x10b: {  	v41 =	vsub.f32 v32, v34;
	v3 =	vmul.f32 v3, v3;
	v1 =	vmul.f32 v4, v1  }
0x10c: {  	v6 =	vadd.f32 $-1.000000000e+00, v6;
	v12 =	vmul.f32 v39, v39;
	v10 =	vmul.f32 v10, v10  }
0x10d: {  	v7 =	vadd.f32 $-1.000000000e+00, v7;
	v4 =	vmul.f32 v40, v40;
	v44 =	vmul.f32 v41, v41  }
0x10e: {  	v5 =	vmul.f32 v5, v16;
	v2 =	vadd.f32 v42, v2;
	v43 =	vadd.f32 v10, v12  }
0x10f: {  	v6 =	vmul.f32 v6, v6;
	v3 =	vadd.f32 v3, v45;
	v4 =	vadd.f32 v44, v4  }
0x110: {  	v5 =	vadd.f32 $-1.000000000e+00, v5;
	v46 =	vshra.s32 v43, $0x1;
	v12 =	vmul.f32 $5.004699830e-01, v43  }
0x111: {  	v49 =	vshra.s32 v4, $0x1;
	v50 =	vmul.f32 $5.004699830e-01, v4;
	v47 =	vsub.s32 $0x5F3759DF, v46  }
0x112: {  	v0 =	vadd.f32 v6, v0;
	v8 =	vsub.s32 $0x5F3759DF, v49;
	v48 =	vmul.f32 v47, v12  }
0x113: {  	v53 =	vshra.s32 v2, $0x1;
	v54 =	vmul.f32 $5.004699830e-01, v2;
	v11 =	vmul.f32 v8, v50  }
0x114: {  	v51 =	vshra.s32 v3, $0x1;
	v52 =	vmul.f32 $5.004699830e-01, v3;
	v6 =	vmul.f32 v47, v48  }
0x115: {  	v7 =	vmul.f32 v7, v7;
	v11 =	vmul.f32 v8, v11;
	v12 =	vsub.s32 $0x5F3759DF, v51  }
0x116: {  	s0 =	sadd.s32 $0x40, s26;
	v14 =	vsub.s32 $0x5F3759DF, v53;
	v13 =	vmul.f32 v12, v52;
	v6 =	vsub.f32 $1.501410010e+00, v6  }
0x117: {  	v55 =	vld [tilespmem:s0+$0xFFFFFFE0];
	v5 =	vmul.f32 v5, v5;
	v15 =	vmul.f32 v14, v54;
	v56 =	vsub.f32 $1.501410010e+00, v11  }
0x118: {  	v13 =	vmul.f32 v12, v13;
	v6 =	vmul.f32 v47, v6  }
0x119: {  	v57 =	vld [tilespmem:s0+$0xFFFFFFF0];
	v15 =	vmul.f32 v14, v15;
	v58 =	vmul.f32 v8, v56  }
0x11a: {  	v1 =	vadd.f32 $-1.000000000e+00, v1;
	v13 =	vsub.f32 $1.501410010e+00, v13;
	v6 =	vmul.f32 v6, v43  }
0x11b: {  	v59 =	vld [tilespmem:s0+$0x0];
	v0 =	vadd.f32 v7, v0;
	v61 =	vsub.f32 $1.501410010e+00, v15;
	v4 =	vmul.f32 v58, v4  }
0x11c: {  	v62 =	vld [tilespmem:s0+$0x10];
	v60 =	vmul.f32 v12, v13;
	v6 =	vmul.f32 v6, v55  }
0x11d: {  	v1 =	vmul.f32 v1, v1;
	v0 =	vadd.f32 v5, v0;
	v63 =	vmul.f32 v14, v61  }
0x11e: {  	v4 =	vmul.f32 v4, v57;
	v3 =	vmul.f32 v60, v3;
	v6 =	vadd.f32 $-1.000000000e+00, v6  }
0x11f: {  	v0 =	vadd.f32 v1, v0;
	v1 =	vmul.f32 v63, v2  }
0x120: {  	v4 =	vadd.f32 $-1.000000000e+00, v4;
	v3 =	vmul.f32 v3, v59;
	v2 =	vmul.f32 v6, v6  }
0x121: {  	v1 =	vmul.f32 v1, v62  }
0x122: {  	v3 =	vadd.f32 $-1.000000000e+00, v3;
	v0 =	vadd.f32 v2, v0;
	v2 =	vmul.f32 v4, v4;
	_ =	sdelay $0x1  }
0x123: {  	v1 =	vadd.f32 $-1.000000000e+00, v1;
	v0 =	vadd.f32 v2, v0;
	v2 =	vmul.f32 v3, v3;
	_ =	sdelay $0x1  }
0x124: {  	v1 =	vmul.f32 v1, v1;
	v0 =	vadd.f32 v2, v0;
	_ =	sdelay $0x1  }
0x125: {  	s0 =	simm.s32 $0xF70;
	v0 =	vadd.f32 v1, v0  }
.LBB2_10:
0x126: {  	v1 =	vld [tilespmem:s29+$0x0]  }
0x127: {  	v2 =	vld [tilespmem:s28+$0x0];
	_ =	sdelay $0x6  }
0x128: {  	v1 =	vld.idx.msk [tilespmem:v1+s3+$0x0], $0xffff  }
0x129: {  	v2 =	vld.idx.msk [tilespmem:v2+s3+$0x0], $0xffff;
	_ =	sdelay $0x3  }
0x12a: {  	v3 =	vshll.u32 v1, $0x10  }
0x12b: {  	v1 =	vand.u32 $0xFFFF0000, v1;
	v4 =	vshll.u32 v2, $0x10;
	v2 =	vand.u32 $0xFFFF0000, v2  }
0x12c: {  	v3 =	vsub.f32 v3, v4;
	v1 =	vsub.f32 v1, v2;
	_ =	sdelay $0x1  }
0x12d: {  	v2 =	vmul.f32 v3, v3;
	v1 =	vmul.f32 v1, v1;
	_ =	sdelay $0x1  }
0x12e: {  	v1 =	vadd.f32 v1, v2;
	_ =	sdelay $0x1  }
0x12f: {  	v2 =	vshra.s32 v1, $0x1;
	v3 =	vmul.f32 $-5.004699830e-01, v1  }
0x130: {  	v2 =	vsub.s32 $0x5F3759DF, v2  }
0x131: {  	v3 =	vmul.f32 v2, v3;
	_ =	sdelay $0x1  }
0x132: {  	v3 =	vmul.f32 v2, v3;
	_ =	sdelay $0x1  }
0x133: {  	v3 =	vadd.f32 $1.501410010e+00, v3  }
0x134: {  	v63 =	vld [tilespmem:s30+$0x0]  }
0x135: {  	v2 =	vmul.f32 v2, v3;
	_ =	sdelay $0x1  }
0x136: {  	v1 =	vmul.f32 v2, v1;
	_ =	sdelay $0x1  }
0x137: {  	s0 =	sadd.s32 $0x10, s0;
	v1 =	vmul.f32 v1, v63  }
0x138: {  	p0 =	slt.u32 s0, $0xF90  }
.Ltmp3:
0x139: {  	v1 =	vadd.f32 $-1.000000000e+00, v1;
	(pc) =	sbr.rel @p0 .LBB2_10-.Ltmp3, $3  }
0x13a: {  	_ = 	snop  }
0x13b: {  	v1 =	vmul.f32 v1, v1;
	_ =	sdelay $0x1  }
0x13c: {  	s30 =	sadd.s32 $0x10, s30;
	s28 =	sadd.s32 $0x10, s28;
	s29 =	sadd.s32 $0x10, s29;
	v0 =	vadd.f32 v1, v0  }
0x13d: {  	p0 =	seq.s32 s25, $0x19  }
.Ltmp4:
0x13e: {  	_ = 	snop;
	(pc) =	sbr.rel @!p0 .LBB2_3-.Ltmp4, $1  }
0x13f: {  	_ =	sdelay $0x3  }
0x140: {  	s24 =	sadd.s32 $0x1, s24  }
0x141: {  	p0 =	sne.s32 s24, s12  }
.Ltmp5:
0x142: {  	[tilespmem:$0x1E700] =	vst v0;
	(pc) =	sbr.rel @p0 .LBB2_1-.Ltmp5, $4  }
0x143: {  	[hbm4b:s11+s3] =	stream.linear.scatter [tilespmem:s22], [sflag:$0x4], $0x80, $0x38;
	[tilespmem:$0x1E780] =	vst v63  }
0x144: {  	_ =	swait.ge [sflag:s23], $0x80  }
0x145: {  	[sflag:s23] =	ssyncset.done $0x0  }
0x146: {  	[sflag:s23] =	ssyncadd.s32 $0xFFFFFF80  }
0x147: {  	_ =	sfence.sel $0x180000  }
0x148: {  	[bflag:$0x0] =	sbarrier.arrive $0xFFFF  }
0x149: {  	_ =	strace $0x9000004A  }
0x14a: {  	s0 =	stileid.u32;
	[bflag:$0x2] =	sbarrier.arrive $0xFFFF  }
0x14b: {  	p0 =	sne.s32 s0, $0x0;
	s0 =	rddreg [dreg:$0x1]  }
0x14c: {  	s0 =	sadd.s32 @!p0 $0x100000, s0  }
0x14d: {  	[sflag:s0] =	ssyncadd.tile.s32 @!p0 $0x1;
	_ =	shalt  }
.Lfunc_end2:
_tile_overlayer_lowered:
.L_overlay_start_2:
0x14e: {  	(tag) =	ssettag $0x2  }
0x14f: {  	s0 =	rddreg [dreg:$0x0];
	s2 =	stileid.u32  }
0x150: {  	s1 =	rddreg [dreg:$0x1];
	p0 =	sne.s32 s2, $0x0  }
0x151: {  	s3 =	rddreg [dreg:$0x2];
	[bflag:$0x3] =	sbarrier.arrive $0xFFFF;
	s2 =	simm.s32 @!p0 $0x1C04  }
0x152: {  	[timem:s3], [sflag:s2] =	dma.local @!p0 [hbm:s0], s1  }
0x153: {  	s0 =	simm.s32 @!p0 $0x4  }
0x154: {  	_ =	swait.ge @!p0 [sflag:s0], s1  }
0x155: {  	s1 =	ssub.s32 @!p0 $0x0, s1;
	[sflag:s0] =	ssyncset.done @!p0 $0x0  }
0x156: {  	[sflag:s0] =	ssyncadd.s32 @!p0 s1  }
0x157: {  	[bflag:$0x3] =	sbarrier.arrive $0xFFFF  }
0x158: {  	_ =	shalt  }

// kernel: sparse-core-data-format-call.cloned.1.call-start
scs
called_computation_lowered:
.L_overlay_start_0:
0x0: {  	s2 =	sld [smem:$0x3FD9]  }
0x1: {  	s3 =	sld [smem:$0x3FFE];
	_ =	sdelay $0x1  }
0x2: {  	s1 =	srdreg.scid  }
0x3: {  	s0 =	sand.u32 $0x1, s1  }
0x4: {  	s18 =	sshll.u32 s0, $0xA;
	s2 =	sadd.s32 s3, s2  }
0x5: {  	s2 =	sadd.s32 s2, s18  }
0x6: {  	[smem:$0x3FC5] =	sst s2  }
0x7: {  	_ = 	snop  }
0x8: {  	s2 =	sld [smem:$0x3FC8];
	(tm) =	ssettm $0x1  }
0x9: {  	s19 =	sld [smem:$0x3FFB];
	_ =	sdelay $0x3  }
0xa: {  	_ =	strace s19  }
0xb: {  	s3 =	sld [smem:$0x3FFC];
	_ =	sdelay $0x3  }
0xc: {  	_ =	strace s3  }
0xd: {  	s3 =	sld [smem:$0x3FFD];
	_ =	sdelay $0x3  }
0xe: {  	_ =	strace s3  }
0xf: {  	_ =	strace $0x8FFFFFFF  }
0x10: {  	s20 =	sld [smem:$0x3FDB];
	_ =	sdelay $0x1  }
0x11: {  	s4 =	simm.s32 $_scs_section_size  }
0x12: {  	s5 =	simm.s32 $_size__tile_overlayer_lowered;
	s6 =	simm.s32 $_tile_overlayer_lowered  }
0x13: {  	s23 =	simm.s32 $0x1BFF;
	s22 =	sshll.u32 s6, $0x1;
	s3 =	sadd.s32 s4, s20  }
0x14: {  	s7 =	simm.s32 $0x0;
	s21 =	sshll.u32 s5, $0x1;
	s5 =	sadd.s32 s22, s3  }
0x15: {  	[timem:s7], [sflag:s23] =	dma.local [hbm:s5], s21  }
0x16: {  	_ =	swait.ge [sflag:s23], s21  }
0x17: {  	s4 =	ssub.s32 $0x0, s21;
	[sflag:s23] =	ssyncset.done $0x0  }
0x18: {  	[sflag:s23] =	ssyncadd.s32 s4;
	_ =	sdelay $0x1  }
0x19: {  	s24 =	simm.s32 $0x1B8B  }
0x1a: {  	_ =	swait.ge [sflag:s24], $0x1  }
0x1b: {  	[sflag:s24] =	ssyncset.done $0x0  }
0x1c: {  	s26 =	simm.s32 $0x1B8E;
	s25 =	sld [smem:$0x3FFE];
	[sflag:s24] =	ssyncadd.s32 $0xFFFFFFFF  }
0x1d: {  	s27 =	simm.s32 $execute0_lowered;
	[smem:$0x3FD2] =	sst s26  }
0x1e: {  	s5 =	sshll.u32 s27, $0x1;
	_ =	strace $0x80000046;
	[dreg:$0x1] =	wrdreg $0xFFFFFFFF  }
0x1f: {  	s28 =	simm.s32 $_size_execute0_lowered;
	s3 =	sadd.s32 s3, s5;
	[dreg:$0x0] =	wrdreg $0x0  }
0x20: {  	s5 =	sshll.u32 s28, $0x1;
	[dreg:$0x2] =	wrdreg s3  }
0x21: {  	[dreg:$0x3] =	wrdreg s5  }
0x22: {  	[dreg:$0x4] =	wrdreg $0xC0  }
0x23: {  	_ =	task [dreg:s7], $0x5FFFF  }
0x24: {  	[dreg:$0x1] =	wrdreg $0xFFFFFFFF  }
0x25: {  	[dreg:$0x0] =	wrdreg $0x60  }
0x26: {  	[dreg:$0x2] =	wrdreg s2  }
0x27: {  	[dreg:$0x3] =	wrdreg s25  }
0x28: {  	[dreg:$0x4] =	wrdreg $0x9  }
0x29: {  	_ =	task.clear_ibuf [dreg:s7], $0x5FFFF;
	_ =	strace $0x90000046  }
0x2a: {  	s29 =	simm.s32 $0x9;
	_ =	strace $0x80000048  }
0x2b: {  	_ =	swait.ge [sflag:s29], $0x1  }
0x2c: {  	[sflag:s29] =	ssyncadd.s32 $0xFFFFFFFF  }
0x2d: {  	_ =	strace $0x90000048  }
0x2e: {  	_ =	sfence  }
0x2f: {  	s30 =	sld [smem:$0x0];
	_ =	sdelay $0x2  }
0x30: {  	s31 =	sshll.u32 s1, $0xD;
	s1 =	sshrl.u32 s1, $0x2  }
0x31: {  	s3 =	sand.u32 $0x4000, s31;
	s1 =	sadd.s32 s1, s30  }
0x32: {  	s0 =	sor.u32 s3, s0;
	s1 =	sshll.u32 s1, $0x11  }
0x33: {  	s0 =	sor.u32 s1, s0  }
0x34: {  	s0 =	sadd.s32 $0x8F2B, s0  }
0x35: {  	[sflag:s0] =	ssyncadd.remote.s32 $0x1  }
0x36: {  	_ =	sfence.sel $0xFFFF  }
0x37: {  	[dreg:$0x0] =	wrdreg $0xFFFFFFFF;
	(pc) =	sbr.abs _section_cstart, $3  }
0x38: {  	[dreg:$0x1] =	wrdreg $0xFFFFFFFF  }
0x39: {  	_ =	task.clear_ibuf [dreg:s7], $0x2FFFF;
	_ =	strace $0x9FFFFFFF  }
0x3a: {  	(tm) =	ssettm $0x7FFFFFFF  }
0x3b: {  	_ =	shalt  }
tec
execute0_lowered:
.L_overlay_start_1:
0x0: {  	(tag) =	ssettag $0x1  }
0x1: {  	s0 =	stileid.u32  }
0x2: {  	s1 =	srdreg.scid;
	s7 =	rddreg [dreg:$0x0]  }
0x3: {  	s4 =	rddreg [dreg:$0x1];
	s31 =	simm.s32 $0x2;
	s10 =	simm.s32 $0x0  }
0x4: {  	s14 =	simm.s32 $0x0;
	s15 =	simm.s32 $0x0;
	s11 =	simm.s32 $0x0  }
0x5: {  	s13 =	simm.s32 $0x0;
	s2 =	sand.u32 $0x1, s1;
	s3 =	sshll.u32 s0, $0x7  }
0x6: {  	s1 =	rddreg [dreg:$0x2];
	s30 =	ssub.s32 $0xC300, s3;
	s5 =	ssub.s32 $0x2, s2  }
.Ltmp0:
0x7: {  	s6 =	sshrl.u32 s30, $0xB;
	s8 =	sshrl.u32 s5, $0x1;
	(pc) =	sbr.rel .LBB1_1-.Ltmp0, $4  }
0x8: {  	_ =	strace $0x80000047;
	s6 =	sadd.s32 $0x1, s6;
	s8 =	ssub.s32 s5, s8  }
0x9: {  	s9 =	sshll.u32 s2, $0x4;
	s5 =	simm.s32 $0x1;
	s6 =	smul.u32 s6, s8  }
0xa: {  	s12 =	smov.u32 s3;
	s7 =	sadd.s32 s7, s9;
	[sflag:s5] =	ssyncpa.u1 $0x0  }
0xb: {  	s9 =	simm.s32 $0x0;
	[sflag:s31] =	ssyncpa.u1 $0x0;
	s8 =	sadd.s32 $0x1, s6  }
.LBB1_4:
0xc: {  	s21 =	simm.s32 $0x0  }
.LBB1_8:
0xd: {  	_ =	sdelay $0x3  }
0xe: {  	v6 =	vld [tilespmem:s18+$0xFFFFFFC0];
	[tilespmem:v0+s20+$0x30 ss:$0x1] =	vst.idx.msk @p0 $0xffff, v2  }
0xf: {  	v58 =	vld [tilespmem:s18+$0xFFFFFFD0];
	[tilespmem:v0+s20+$0x40 ss:$0x1] =	vst.idx.msk @p0 $0xffff, v3;
	s21 =	sadd.s32 @p0 $0x80, s21  }
0x10: {  	v59 =	vld [tilespmem:s18+$0xFFFFFFE0];
	[tilespmem:v0+s20+$0x50 ss:$0x1] =	vst.idx.msk @p0 $0xffff, v5;
	s19 =	smov.u32 @p0 s21  }
0x11: {  	v60 =	vld [tilespmem:s18+$0xFFFFFFF0];
	[tilespmem:v0+s20+$0x60 ss:$0x1] =	vst.idx.msk @p0 $0xffff, v4;
	s19 =	sand.u32 $0x3F80, s19  }
0x12: {  	v61 =	vld [tilespmem:s18+$0x0];
	[tilespmem:v0+s19+$0x70 ss:$0x1] =	vst.idx.msk $0xffff, v1  }
0x13: {  	v62 =	vld [tilespmem:s18+$0x10];
	[tilespmem:v0+s19+$0x0 ss:$0x1] =	vst.idx.msk $0xffff, v6  }
0x14: {  	v63 =	vld [tilespmem:s18+$0x20];
	[tilespmem:v0+s19+$0x10 ss:$0x1] =	vst.idx.msk $0xffff, v58  }
0x15: {  	[tilespmem:v0+s19+$0x20 ss:$0x1] =	vst.idx.msk $0xffff, v59  }
0x16: {  	[tilespmem:v0+s19+$0x30 ss:$0x1] =	vst.idx.msk $0xffff, v60  }
0x17: {  	[tilespmem:v0+s19+$0x40 ss:$0x1] =	vst.idx.msk $0xffff, v61  }
0x18: {  	[tilespmem:v0+s19+$0x50 ss:$0x1] =	vst.idx.msk $0xffff, v62  }
0x19: {  	[tilespmem:v0+s19+$0x60 ss:$0x1] =	vst.idx.msk $0xffff, v63  }
.LBB1_9:
0x1a: {  	s18 =	sand.u32 $0x1FFFFFF, s11  }
0x1b: {  	s19 =	smulhi.u32 $0x14F8B59, s18;
	_ =	sdelay $0x1  }
0x1c: {  	s19 =	sshrl.u32 s19, $0x8  }
0x1d: {  	s19 =	smul.u32 $0xC350, s19  }
0x1e: {  	s15 =	smul.u32 $0xC3500, s15  }
0x1f: {  	s18 =	ssub.s32 s18, s19  }
0x20: {  	s15 =	sadd.s32 s4, s15;
	s18 =	sshll.u32 s18, $0x4  }
0x21: {  	s15 =	sadd.s32 s18, s15  }
0x22: {  	[hbm4b:s15+s9] =	stream.linear.scatter [tilespmem:s17], [sflag:$0x2], s16, $0x38;
	[tilespmem:$0x10000] =	vst v63  }
.LBB1_10:
0x23: {  	p0 =	slt.u32 s13, $0x2  }
0x24: {  	p1 =	sgt.s32 @!p0 s14, $0xC2D0  }
0x25: {  	s15 =	smov.u32 s14;
	s16 =	sshra.s32 @!p0 s14, $0x1F;
	p1 =	por !p1, p0  }
0x26: {  	s14 =	sand.u32 @!p0 s16, s14;
	s15 =	simm.s32 @p1 $0xC2D0  }
0x27: {  	s14 =	ssub.s32 @!p0 s15, s14  }
0x28: {  	s14 =	sadd.s32 @!p0 $0xFFFF3D30, s14  }
0x29: {  	s15 =	sshll.u32 @!p0 s14, $0x7  }
0x2a: {  	p1 =	sgt.s32 @!p0 s14, $0x7F;
	s14 =	ssub.s32 @!p0 $0x4000, s15  }
0x2b: {  	s16 =	sadd.s32 $0x800, s12;
	p1 =	por !p1, p0;
	s14 =	sand.u32 @!p0 $0x3FFFFF80, s14  }
0x2c: {  	s14 =	simm.s32 @!p1 $0x0;
	p1 =	sgt.s32 s16, $0xC34F  }
0x2d: {  	s16 =	smov.u32 @p1 s3;
	p1 =	sne.s32 s13, s8  }
.Ltmp1:
0x2e: {  	_ = 	snop;
	(pc) =	sbr.rel @!p1 .LBB1_11-.Ltmp1, $4  }
0x2f: {  	s10 =	sadd.s32 $0x4000, s10;
	s15 =	simm.s32 @!p0 $0x2  }
0x30: {  	_ =	swait.ge @!p0 [sflag:s15], s14;
	s17 =	ssub.s32 @!p0 $0x0, s14;
	s14 =	smov.u32 s11  }
0x31: {  	s13 =	sadd.s32 $0x1, s13;
	s11 =	smov.u32 s12;
	[sflag:s15] =	ssyncset.done @!p0 $0x0  }
0x32: {  	s12 =	smov.u32 s16;
	[sflag:s15] =	ssyncadd.s32 @!p0 s17;
	s15 =	smov.u32 s2  }
.LBB1_1:
0x33: {  	p0 =	sge.u32 s13, s6  }
0x34: {  	p1 =	sgt.s32 @!p0 s12, $0xC2D0  }
0x35: {  	s16 =	smov.u32 s12;
	s17 =	sshra.s32 @!p0 s12, $0x1F;
	p1 =	por !p1, p0  }
0x36: {  	s17 =	sand.u32 @!p0 s17, s12;
	s16 =	simm.s32 @p1 $0xC2D0  }
0x37: {  	s16 =	ssub.s32 @!p0 s16, s17  }
0x38: {  	s31 =	sadd.s32 $0xFFFFFFFF, s13;
	s18 =	sxor.u32 @!p0 $0xFFFFFFFF, s13;
	s16 =	sadd.s32 @!p0 $0xFFFF3D30, s16  }
0x39: {  	s19 =	simm.s32 @!p0 $0x80;
	s20 =	simm.s32 @!p0 $0x100;
	s17 =	sshll.u32 @!p0 s16, $0x7  }
0x3a: {  	p1 =	sgt.s32 @!p0 s16, $0x7F;
	s16 =	ssub.s32 @!p0 $0x4000, s17;
	s17 =	sshll.u32 @!p0 s18, $0xE  }
0x3b: {  	p1 =	por !p1, p0;
	s18 =	sshll.u32 @!p0 s12, $0x5;
	s16 =	sand.u32 @!p0 $0x3FFFFF80, s16  }
0x3c: {  	s17 =	sand.u32 @!p0 $0x4000, s17;
	s18 =	sadd.s32 @!p0 s18, s7;
	s16 =	simm.s32 @!p1 $0x0  }
0x3d: {  	[tilespmem:s17], [sflag:$0x1] =	stream.strided.gather @!p0 [hbm4b:s18+s19], s16, s20, s19, $0x38;
	[tilespmem:$0x10000] =	vst v63  }
0x3e: {  	p0 =	sge.u32 s31, s6  }
.Ltmp2:
0x3f: {  	_ = 	snop;
	(pc) =	sbr.rel @p0 .LBB1_10-.Ltmp2, $1  }
0x40: {  	_ =	sdelay $0x3  }
0x41: {  	p0 =	sgt.s32 s11, $0xC2D0;
	s16 =	smov.u32 s11;
	s17 =	sshra.s32 s11, $0x1F  }
0x42: {  	s16 =	simm.s32 @!p0 $0xC2D0;
	s17 =	sand.u32 s17, s11  }
0x43: {  	s16 =	ssub.s32 s16, s17  }
0x44: {  	s16 =	sadd.s32 $0xFFFF3D30, s16  }
0x45: {  	s30 =	sshll.u32 s16, $0x7  }
0x46: {  	s17 =	ssub.s32 $0x4000, s30  }
0x47: {  	p0 =	sgt.s32 s16, $0x7F;
	s16 =	sand.u32 $0x3FFFFF80, s17;
	s17 =	sadd.s32 $0x80, s11  }
0x48: {  	s16 =	simm.s32 @p0 $0x0;
	p0 =	slt.s32 s17, $0xC350  }
0x49: {  	s17 =	simm.s32 @!p0 $0xC350  }
0x4a: {  	s20 =	ssub.s32 s17, s11  }
0x4b: {  	p0 =	slt.s32 s20, $0x1  }
.Ltmp3:
0x4c: {  	_ = 	snop;
	(pc) =	sbr.rel @p0 .LBB1_9-.Ltmp3, $4  }
0x4d: {  	_ = 	snop  }
0x4e: {  	s19 =	sshll.u32 s13, $0xE;
	_ =	swait.ge [sflag:s5], s16  }
0x4f: {  	s31 =	sand.u32 $0x4000, s19;
	s18 =	ssub.s32 $0x0, s16;
	[sflag:s5] =	ssyncset.done $0x0  }
0x50: {  	s17 =	sor.u32 $0x8000, s31;
	[sflag:s5] =	ssyncadd.s32 s18  }
0x51: {  	p1 =	sne.s32 s20, $0x1  }
.Ltmp4:
0x52: {  	v0 =	vmov s17;
	(pc) =	sbr.rel @!p1 .LBB1_4-.Ltmp4, $4  }
0x53: {  	_ = 	snop  }
0x54: {  	s18 =	sand.u32 $0x4000, s10  }
0x55: {  	s18 =	sor.u32 $0x40, s18  }
0x56: {  	s19 =	simm.s32 $0x0;
	s21 =	sadd.s32 $0xFFFFFFFF, s20;
	p0 =	por $0x0, $0x0;
	v1 =	vld [tilespmem:s18+$0x30]  }
0x57: {  	v4 =	vld [tilespmem:s18+$0xFFFFFFC0]  }
0x58: {  	v6 =	vld [tilespmem:s18+$0xFFFFFFD0]  }
0x59: {  	v7 =	vld [tilespmem:s18+$0xFFFFFFE0];
	p1 =	sne.s32 s21, $0x1  }
.Ltmp5:
0x5a: {  	v2 =	vld [tilespmem:s18+$0xFFFFFFF0];
	s20 =	sand.u32 $0x3F80, s19;
	(pc) =	sbr.rel @!p1 .LBB1_6-.Ltmp5, $4  }
0x5b: {  	v3 =	vld [tilespmem:s18+$0x0];
	[tilespmem:v0+s20+$0x70 ss:$0x1] =	vst.idx.msk $0xffff, v1  }
0x5c: {  	v5 =	vld [tilespmem:s18+$0x10];
	[tilespmem:v0+s20+$0x0 ss:$0x1] =	vst.idx.msk $0xffff, v4  }
0x5d: {  	v4 =	vld [tilespmem:s18+$0x20];
	[tilespmem:v0+s20+$0x10 ss:$0x1] =	vst.idx.msk $0xffff, v6;
	s18 =	sadd.s32 $0x80, s18  }
0x5e: {  	s22 =	sadd.s32 $0xFFFFFFFF, s21;
	p0 =	por $0x1, $0x1;
	s21 =	simm.s32 $0x0;
	[tilespmem:v0+s20+$0x20 ss:$0x1] =	vst.idx.msk $0xffff, v7;
	v1 =	vld [tilespmem:s18+$0x30]  }
.LBB1_7:
0x5f: {  	p1 =	sne.s32 s22, $0x1;
	v6 =	vld [tilespmem:s18+$0xFFFFFFC0];
	[tilespmem:v0+s20+$0x30 ss:$0x1] =	vst.idx.msk $0xffff, v2  }
0x60: {  	v7 =	vld [tilespmem:s18+$0xFFFFFFD0];
	[tilespmem:v0+s20+$0x40 ss:$0x1] =	vst.idx.msk $0xffff, v3  }
0x61: {  	s21 =	sadd.s32 $0x80, s21;
	v8 =	vld [tilespmem:s18+$0xFFFFFFE0];
	[tilespmem:v0+s20+$0x50 ss:$0x1] =	vst.idx.msk $0xffff, v5  }
.Ltmp6:
0x62: {  	v2 =	vld [tilespmem:s18+$0xFFFFFFF0];
	[tilespmem:v0+s20+$0x60 ss:$0x1] =	vst.idx.msk $0xffff, v4;
	s20 =	sand.u32 $0x3F80, s21;
	(pc) =	sbr.rel @p1 .LBB1_7-.Ltmp6, $4  }
0x63: {  	v3 =	vld [tilespmem:s18+$0x0];
	[tilespmem:v0+s20+$0x70 ss:$0x1] =	vst.idx.msk $0xffff, v1  }
0x64: {  	[tilespmem:v0+s20+$0x0 ss:$0x1] =	vst.idx.msk $0xffff, v6;
	v5 =	vld [tilespmem:s18+$0x10]  }
0x65: {  	[tilespmem:v0+s20+$0x10 ss:$0x1] =	vst.idx.msk $0xffff, v7;
	v4 =	vld [tilespmem:s18+$0x20];
	s18 =	sadd.s32 $0x80, s18  }
0x66: {  	s22 =	sadd.s32 $0xFFFFFFFF, s22;
	v1 =	vld [tilespmem:s18+$0x30];
	[tilespmem:v0+s20+$0x20 ss:$0x1] =	vst.idx.msk $0xffff, v8  }
.Ltmp7:
0x67: {  	_ = 	snop;
	(pc) =	sbr.rel .LBB1_8-.Ltmp7, $1  }
0x68: {  	_ =	sdelay $0x3  }
.LBB1_6:
.Ltmp8:
0x69: {  	(pc) =	sbr.rel .LBB1_8-.Ltmp8, $2  }
0x6a: {  	_ =	sdelay $0x2  }
0x6b: {  	s21 =	simm.s32 $0x0  }
.LBB1_11:
0x6c: {  	_ =	sfence.sel $0x180000  }
0x6d: {  	s2 =	simm.s32 $0x1;
	[bflag:$0x0] =	sbarrier.arrive $0xFFFF  }
0x6e: {  	s31 =	simm.s32 $0x2;
	[sflag:s2] =	ssyncpa.u1 $0x1  }
0x6f: {  	[sflag:s31] =	ssyncpa.u1 $0x1  }
0x70: {  	p0 =	sne.s32 s0, $0x0;
	_ =	strace $0x90000047  }
0x71: {  	s0 =	sadd.s32 @!p0 $0x100000, s1;
	[bflag:$0x2] =	sbarrier.arrive $0xFFFF  }
0x72: {  	[sflag:s0] =	ssyncadd.tile.s32 @!p0 $0x1;
	_ =	shalt  }
.Lfunc_end1:
_tile_overlayer_lowered:
.L_overlay_start_2:
0x73: {  	(tag) =	ssettag $0x2  }
0x74: {  	s0 =	rddreg [dreg:$0x0];
	s2 =	stileid.u32  }
0x75: {  	s1 =	rddreg [dreg:$0x1];
	p0 =	sne.s32 s2, $0x0  }
0x76: {  	s3 =	rddreg [dreg:$0x2];
	[bflag:$0x3] =	sbarrier.arrive $0xFFFF;
	s2 =	simm.s32 @!p0 $0x1C01  }
0x77: {  	[timem:s3], [sflag:s2] =	dma.local @!p0 [hbm:s0], s1  }
0x78: {  	s0 =	simm.s32 @!p0 $0x1  }
0x79: {  	_ =	swait.ge @!p0 [sflag:s0], s1  }
0x7a: {  	s1 =	ssub.s32 @!p0 $0x0, s1;
	[sflag:s0] =	ssyncset.done @!p0 $0x0  }
0x7b: {  	[sflag:s0] =	ssyncadd.s32 @!p0 s1  }
0x7c: {  	[bflag:$0x3] =	sbarrier.arrive $0xFFFF  }
0x7d: {  	_ =	shalt  }

</sc_bundles>
